<compile_context>
chip_gen: v7x
topology: tpu7x:2x2x1
jax: 0.10.2.dev20260603
libtpu: 0.0.44.dev20260713+nightly
codegen_flags: <defaults>
</compile_context>

<pallas_src>
import dataclasses

import jax
import jax.numpy as jnp
from jax import lax
from jax.experimental import pallas as pl
from jax.experimental.pallas import tpu as pltpu
from jax.experimental.pallas import tpu_sc as plsc

N = 10000
E = 320000
D = 128
EPS = 1e-6

NC = 2
NS = 16
L = 16
EPW = E // NS
B = 80
NCHUNK = EPW // B
DROWS = 80
HALF = N // NC
ACC_ROWS = HALF + 8
DCH = 16
ER = E // D
SHIFT = 14
MASK = (1 << SHIFT) - 1


def _prep_body(x_ref, wf_ref, bf_ref, ws_ref, wt_ref, src_ref, tgt_ref,
               xcat_ref, es_ref, et_ref, edges_ref):
    x = x_ref[...]
    wf = wf_ref[...]
    dn = (((1,), (1,)), ((), ()))
    dnc = (((1,), (0,)), ((), ()))
    xcat_ref[pl.ds(0, N), :] = lax.dot_general(
        x, wf[:, :D], dn, preferred_element_type=jnp.float32)
    xcat_ref[pl.ds(N, N), :] = lax.dot_general(
        x, wf[:, D:], dn, preferred_element_type=jnp.float32) + bf_ref[...][None, :]
    a_s8 = lax.dot_general(x, ws_ref[...], dnc, preferred_element_type=jnp.float32)
    a_t8 = lax.dot_general(x, wt_ref[...], dnc, preferred_element_type=jnp.float32)
    es_ref[...] = jnp.exp(a_s8[:, :1] - jnp.max(a_s8))
    et_ref[...] = jnp.exp(a_t8[:, :1] - jnp.max(a_t8))
    edges_ref[...] = jnp.bitwise_or(
        jnp.left_shift(src_ref[...], SHIFT), tgt_ref[...])


def _prep(x, Wf, bf, ws_pad, wt_pad, src2d, tgt2d):
    return pl.pallas_call(
        _prep_body,
        out_shape=[
            jax.ShapeDtypeStruct((2 * N, D), jnp.float32),
            jax.ShapeDtypeStruct((N, 1), jnp.float32),
            jax.ShapeDtypeStruct((N, 1), jnp.float32),
            jax.ShapeDtypeStruct((ER, D), jnp.int32),
        ],
    )(x, Wf, bf, ws_pad, wt_pad, src2d, tgt2d)


def _edge_body(xcat_hbm, es_hbm, edges_hbm, acc_hbm, den_hbm,
               ebuf0, ebuf1, idx0, idx1, tgt0, tgt1, tcl0, tcl1,
               st0, st1, wbuf0, wbuf1, es_v, den_v, acc_sh, sem0, sem1):
    cid = lax.axis_index("c")
    sid = lax.axis_index("s")

    lanes = lax.iota(jnp.int32, L)
    lane0 = lanes == 0
    nbase = cid * HALF
    sems = (sem0, sem1)
    ebufs = (ebuf0, ebuf1)
    idxs = (idx0, idx1)
    tgts = (tgt0, tgt1)
    tcls = (tcl0, tcl1)
    sts = (st0, st1)
    wbufs = (wbuf0, wbuf1)

    @pl.loop(0, DROWS)
    def _zden(r):
        for j in range(D // L):
            den_v[r, pl.ds(j * L, L)] = jnp.zeros((L,), jnp.float32)

    @pl.loop(sid, ACC_ROWS // DCH, step=NS)
    def _zacc(k):
        pltpu.sync_copy(den_v.at[pl.ds(0, DCH)],
                        acc_sh.at[pl.ds(k * DCH, DCH)])

    pltpu.sync_copy(es_hbm, es_v)
    plsc.subcore_barrier()

    def _stage(i, s):
        ebuf_v, idx_v, tgt_v, tcl_v, st_v, wbuf_v = (
            ebufs[s], idxs[s], tgts[s], tcls[s], sts[s], wbufs[s])
        base = sid * EPW + i * B
        pltpu.sync_copy(edges_hbm.at[pl.ds(base, B)], ebuf_v)

        @pl.loop(0, B // L)
        def _mkidx(g):
            p16 = ebuf_v[pl.ds(g * L, L)]
            t16 = lax.bitwise_and(p16, MASK)
            idx_v[pl.ds(g * L, L)] = lax.shift_right_logical(p16, SHIFT)
            idx_v[pl.ds(B + g * L, L)] = t16 + N
            tgt_v[pl.ds(g * L, L)] = t16
            loc = t16 - nbase
            loc = jnp.where(jnp.logical_and(loc >= 0, loc < HALF), loc, HALF)
            tcl_v[pl.ds(g * L, L)] = loc
            wbuf_v[pl.ds(g * L, L)] = plsc.load_gather(
                es_v, [lax.shift_right_logical(p16, SHIFT)])

        pltpu.async_copy(xcat_hbm.at[idx_v], st_v, sems[s])

    def _work(s):
        idx_v, tgt_v, tcl_v, st_v, wbuf_v = (
            idxs[s], tgts[s], tcls[s], sts[s], wbufs[s])
        pltpu.make_async_copy(xcat_hbm.at[idx_v], st_v, sems[s]).wait()

        @pl.loop(0, B)
        def _edge(e):
            ev = jnp.full((L,), e, jnp.int32)
            tb = plsc.load_gather(tgt_v, [ev])
            wv = plsc.load_gather(wbuf_v, [ev])
            for j in range(D // L):
                sv = st_v[e, pl.ds(j * L, L)]
                tv = st_v[B + e, pl.ds(j * L, L)]
                st_v[e, pl.ds(j * L, L)] = jnp.maximum(sv + tv, 0.0) * wv
            inr = jnp.logical_and(lane0, jnp.logical_and(
                tb >= nbase, tb < nbase + HALF))
            plsc.addupdate_scatter(den_v, [lax.shift_right_logical(tb, 7),
                                           lax.bitwise_and(tb, 127)],
                                   wv, mask=inr)

        pltpu.sync_copy(st_v.at[pl.ds(0, B)], acc_sh.at[tcl_v], add=True)

    _stage(0, 0)

    @pl.loop(0, NCHUNK, step=2)
    def _pair(i):
        _stage(i + 1, 1)
        _work(0)

        @pl.when(i + 2 < NCHUNK)
        def _pre():
            _stage(i + 2, 0)

        _work(1)

    plsc.subcore_barrier()

    @pl.loop(sid, ACC_ROWS // DCH, step=NS)
    def _drain(k):
        pltpu.sync_copy(acc_sh.at[pl.ds(k * DCH, DCH)],
                        acc_hbm.at[cid, pl.ds(k * DCH, DCH)])

    pltpu.sync_copy(den_v, den_hbm.at[cid, sid])



def _edge(xcat, es, edges):
    mesh = plsc.VectorSubcoreMesh(core_axis_name="c", subcore_axis_name="s")
    cp = pltpu.CompilerParams()
    if "needs_layout_passes" in pltpu.CompilerParams.__dataclass_fields__:
        cp = dataclasses.replace(cp, needs_layout_passes=False)
    f = pl.kernel(
        _edge_body,
        out_type=[
            jax.ShapeDtypeStruct((NC, ACC_ROWS, D), jnp.float32),
            jax.ShapeDtypeStruct((NC, NS, DROWS, D), jnp.float32),
        ],
        mesh=mesh,
        scratch_types=[
            pltpu.VMEM((B,), jnp.int32),
            pltpu.VMEM((B,), jnp.int32),
            pltpu.VMEM((2 * B,), jnp.int32),
            pltpu.VMEM((2 * B,), jnp.int32),
            pltpu.VMEM((B,), jnp.int32),
            pltpu.VMEM((B,), jnp.int32),
            pltpu.VMEM((B,), jnp.int32),
            pltpu.VMEM((B,), jnp.int32),
            pltpu.VMEM((2 * B, D), jnp.float32),
            pltpu.VMEM((2 * B, D), jnp.float32),
            pltpu.VMEM((B,), jnp.float32),
            pltpu.VMEM((B,), jnp.float32),
            pltpu.VMEM((N,), jnp.float32),
            pltpu.VMEM((DROWS, D), jnp.float32),
            pltpu.VMEM_SHARED((ACC_ROWS, D), jnp.float32),
            pltpu.SemaphoreType.DMA,
            pltpu.SemaphoreType.DMA,
        ],
        compiler_params=cp,
    )
    return f(xcat, es, edges)


def _final_body(num_ref, dens_ref, et_ref, o_ref):
    den = lax.dot_general(dens_ref[...], jnp.ones((NC * NS, 1), jnp.float32),
                          (((0,), (0,)), ((), ())),
                          preferred_element_type=jnp.float32)[:N]
    et = et_ref[...]
    scale = et / (den * et + EPS)
    o_ref[pl.ds(0, HALF), :] = num_ref[0, :HALF] * scale[:HALF]
    o_ref[pl.ds(HALF, HALF), :] = num_ref[1, :HALF] * scale[HALF:]


def _final(num, dens, et):
    return pl.pallas_call(
        _final_body,
        out_shape=jax.ShapeDtypeStruct((N, D), jnp.float32),
    )(num, dens, et)


def kernel(x, src, tgt, Wf, bf, Ww, bw):
    zpad = jnp.zeros((D, 7), jnp.float32)
    ws_pad = jnp.concatenate([Ww[:, :D].T, zpad], axis=1)
    wt_pad = jnp.concatenate([Ww[:, D:].T, zpad], axis=1)
    xcat, es, et, edges = _prep(x, Wf, bf, ws_pad, wt_pad,
                                src.reshape(ER, D), tgt.reshape(ER, D))
    num, dens = _edge(xcat, es.reshape(N), edges.reshape(E))
    return _final(num, dens.reshape(NC * NS, DROWS * D), et)

# --- scband reference (transcript-rebuilt; emitter-appended) ---
"""Pipeline reference for scband-graph-convolution-40956808135018 (READ-ONLY COPY).

The authoritative reference and input builder live on the scoring server;
editing this copy changes nothing except your own understanding.
"""

import jax, jax.numpy as jnp
import numpy as np

N = 10000
E = 320000
D = 128
EPS = 1e-6


def setup_inputs(seed: int = 0) -> dict:
    key = jax.random.key(seed)
    k1, k2, k3, k4, k5, k6, k7 = jax.random.split(key, 7)
    x = jax.random.normal(k1, (N, D), dtype=jnp.float32)
    src = jax.random.randint(k2, (E,), 0, N, dtype=jnp.int32)
    tgt = jax.random.randint(k3, (E,), 0, N, dtype=jnp.int32)
    # f: Linear(2*D -> D), xavier_uniform weight
    lim_f = float(np.sqrt(6.0 / (2 * D + D)))
    Wf = jax.random.uniform(k4, (D, 2 * D), minval=-lim_f, maxval=lim_f, dtype=jnp.float32)
    bf = jnp.zeros((D,), dtype=jnp.float32)
    # w: Linear(2*D -> 1), xavier_uniform weight
    lim_w = float(np.sqrt(6.0 / (2 * D + 1)))
    Ww = jax.random.uniform(k5, (1, 2 * D), minval=-lim_w, maxval=lim_w, dtype=jnp.float32)
    bw = jnp.zeros((1,), dtype=jnp.float32)
    return {"x": x, "src": src, "tgt": tgt, "Wf": Wf, "bf": bf, "Ww": Ww, "bw": bw}


def reference(x, src, tgt, Wf, bf, Ww, bw):
    hsrc = x[src]                                  # gather [E, D]
    htgt = x[tgt]                                  # gather [E, D]
    h = jnp.concatenate([hsrc, htgt], axis=1)      # [E, 2D]
    y = jax.nn.relu(h @ Wf.T + bf)                 # [E, D]
    a = h @ Ww.T + bw                              # [E, 1]
    a_base = jnp.max(a, axis=0, keepdims=True)     # [1, 1]
    a_exp = jnp.exp(a - a_base)                    # [E, 1]
    # torch.spmm(Mtgt, .) with Mtgt[n, e] = 1[tgt[e] == n] is a scatter-add over tgt
    a_sum = jax.ops.segment_sum(a_exp, tgt, num_segments=N) + EPS   # [N, 1]
    o = jax.ops.segment_sum(y * a_exp, tgt, num_segments=N) / a_sum  # [N, D]
    return o

if __name__ == "__main__":
    import jax
    _d = setup_inputs()
    print(jax.jit(kernel)(*tuple(_d.values())))

</pallas_src>

<mosaic_0001>
#map = affine_map<(d0, d1) -> (0, 0)>
#map1 = affine_map<(d0, d1) -> (0)>
#map2 = affine_map<(d0, d1) -> (0, 0, 0)>
#map3 = affine_map<(d0, d1) -> (0, 0, 0, 0)>
module attributes {stable_mosaic.version = 14 : i64} {
  func.func @_edge_body(%arg0: i32, %arg1: i32, %arg2: memref<20000x128xf32, #tpu.memory_space<hbm>>, %arg3: memref<10000xf32, #tpu.memory_space<hbm>>, %arg4: memref<320000xi32, #tpu.memory_space<hbm>>, %arg5: memref<2x5008x128xf32, #tpu.memory_space<hbm>>, %arg6: memref<2x16x80x128xf32, #tpu.memory_space<hbm>>, %arg7: memref<80xi32, #tpu.memory_space<vmem>>, %arg8: memref<80xi32, #tpu.memory_space<vmem>>, %arg9: memref<160xi32, #tpu.memory_space<vmem>>, %arg10: memref<160xi32, #tpu.memory_space<vmem>>, %arg11: memref<80xi32, #tpu.memory_space<vmem>>, %arg12: memref<80xi32, #tpu.memory_space<vmem>>, %arg13: memref<80xi32, #tpu.memory_space<vmem>>, %arg14: memref<80xi32, #tpu.memory_space<vmem>>, %arg15: memref<160x128xf32, #tpu.memory_space<vmem>>, %arg16: memref<160x128xf32, #tpu.memory_space<vmem>>, %arg17: memref<80xf32, #tpu.memory_space<vmem>>, %arg18: memref<80xf32, #tpu.memory_space<vmem>>, %arg19: memref<10000xf32, #tpu.memory_space<vmem>>, %arg20: memref<80x128xf32, #tpu.memory_space<vmem>>, %arg21: memref<5008x128xf32, #tpu.memory_space<vmem_shared>>, %arg22: memref<!tpu.dma_semaphore, #tpu.memory_space<semaphore_mem>>, %arg23: memref<!tpu.dma_semaphore, #tpu.memory_space<semaphore_mem>>) attributes {dimension_semantics = [#tpu.dimension_semantics<core_parallel>, #tpu.dimension_semantics<subcore_parallel>], iteration_bounds = array<i64: 2, 16>, scalar_prefetch = 0 : i64, scratch_operands = 17 : i64, tpu.core_type = #tpu.core_type<sc_vector_subcore>, window_params = [{transform_indices = #map}, {transform_indices = #map1}, {transform_indices = #map1}, {transform_indices = #map2}, {transform_indices = #map3}]} {
    %iota3A = tpu.iota {dimensions = array<i32: 0>} : vector<16xi32>
    %eq3A = arith.constant 0 : i32
    %eq3A_0 = vector.broadcast %eq3A : i32 to vector<16xi32>
    %eq3A_1 = arith.cmpi eq, %iota3A, %eq3A_0 : vector<16xi32>
    %mul3A = arith.constant 5000 : i32
    %mul3A_2 = arith.muli %arg0, %mul3A : i32
    %scan3A = arith.constant 0 : i32
    %scan3A_3 = arith.constant 80 : i32
    %scan3A_4 = arith.addi %scan3A, %scan3A_3 : i32
    %scan3A_5 = arith.constant 1 : i32
    scf.for %scan3A_56 = %scan3A to %scan3A_4 step %scan3A_5  : i32 {
      %mul3A_57 = arith.constant 1 : i32
      %mul3A_58 = arith.muli %scan3A_56, %mul3A_57 : i32
      %add3A_59 = arith.constant 0 : i32
      %add3A_60 = arith.addi %add3A_59, %mul3A_58 : i32
      %broadcast_in_dim3A = arith.constant 0.000000e+00 : f32
      %broadcast_in_dim3A_61 = vector.broadcast %broadcast_in_dim3A : f32 to vector<16xf32>
      %swap3A = arith.index_cast %add3A_60 : i32 to index
      %swap3A_62 = arith.constant 0 : index
      %swap3A_63 = tpu.vector_load %arg20[%swap3A, %swap3A_62] {strides = array<i32>} : memref<80x128xf32, #tpu.memory_space<vmem>>, vector<16xf32>,
      tpu.vector_store %arg20[%swap3A, %swap3A_62], %broadcast_in_dim3A_61 {strides = array<i32>} : memref<80x128xf32, #tpu.memory_space<vmem>>, vector<16xf32>,
      %broadcast_in_dim3A_64 = arith.constant 0.000000e+00 : f32
      %broadcast_in_dim3A_65 = vector.broadcast %broadcast_in_dim3A_64 : f32 to vector<16xf32>
      %swap3A_66 = arith.index_cast %add3A_60 : i32 to index
      %swap3A_67 = arith.constant 16 : index
      %swap3A_68 = tpu.vector_load %arg20[%swap3A_66, %swap3A_67] {strides = array<i32>} : memref<80x128xf32, #tpu.memory_space<vmem>>, vector<16xf32>,
      tpu.vector_store %arg20[%swap3A_66, %swap3A_67], %broadcast_in_dim3A_65 {strides = array<i32>} : memref<80x128xf32, #tpu.memory_space<vmem>>, vector<16xf32>,
      %broadcast_in_dim3A_69 = arith.constant 0.000000e+00 : f32
      %broadcast_in_dim3A_70 = vector.broadcast %broadcast_in_dim3A_69 : f32 to vector<16xf32>
      %swap3A_71 = arith.index_cast %add3A_60 : i32 to index
      %swap3A_72 = arith.constant 32 : index
      %swap3A_73 = tpu.vector_load %arg20[%swap3A_71, %swap3A_72] {strides = array<i32>} : memref<80x128xf32, #tpu.memory_space<vmem>>, vector<16xf32>,
      tpu.vector_store %arg20[%swap3A_71, %swap3A_72], %broadcast_in_dim3A_70 {strides = array<i32>} : memref<80x128xf32, #tpu.memory_space<vmem>>, vector<16xf32>,
      %broadcast_in_dim3A_74 = arith.constant 0.000000e+00 : f32
      %broadcast_in_dim3A_75 = vector.broadcast %broadcast_in_dim3A_74 : f32 to vector<16xf32>
      %swap3A_76 = arith.index_cast %add3A_60 : i32 to index
      %swap3A_77 = arith.constant 48 : index
      %swap3A_78 = tpu.vector_load %arg20[%swap3A_76, %swap3A_77] {strides = array<i32>} : memref<80x128xf32, #tpu.memory_space<vmem>>, vector<16xf32>,
      tpu.vector_store %arg20[%swap3A_76, %swap3A_77], %broadcast_in_dim3A_75 {strides = array<i32>} : memref<80x128xf32, #tpu.memory_space<vmem>>, vector<16xf32>,
      %broadcast_in_dim3A_79 = arith.constant 0.000000e+00 : f32
      %broadcast_in_dim3A_80 = vector.broadcast %broadcast_in_dim3A_79 : f32 to vector<16xf32>
      %swap3A_81 = arith.index_cast %add3A_60 : i32 to index
      %swap3A_82 = arith.constant 64 : index
      %swap3A_83 = tpu.vector_load %arg20[%swap3A_81, %swap3A_82] {strides = array<i32>} : memref<80x128xf32, #tpu.memory_space<vmem>>, vector<16xf32>,
      tpu.vector_store %arg20[%swap3A_81, %swap3A_82], %broadcast_in_dim3A_80 {strides = array<i32>} : memref<80x128xf32, #tpu.memory_space<vmem>>, vector<16xf32>,
      %broadcast_in_dim3A_84 = arith.constant 0.000000e+00 : f32
      %broadcast_in_dim3A_85 = vector.broadcast %broadcast_in_dim3A_84 : f32 to vector<16xf32>
      %swap3A_86 = arith.index_cast %add3A_60 : i32 to index
      %swap3A_87 = arith.constant 80 : index
      %swap3A_88 = tpu.vector_load %arg20[%swap3A_86, %swap3A_87] {strides = array<i32>} : memref<80x128xf32, #tpu.memory_space<vmem>>, vector<16xf32>,
      tpu.vector_store %arg20[%swap3A_86, %swap3A_87], %broadcast_in_dim3A_85 {strides = array<i32>} : memref<80x128xf32, #tpu.memory_space<vmem>>, vector<16xf32>,
      %broadcast_in_dim3A_89 = arith.constant 0.000000e+00 : f32
      %broadcast_in_dim3A_90 = vector.broadcast %broadcast_in_dim3A_89 : f32 to vector<16xf32>
      %swap3A_91 = arith.index_cast %add3A_60 : i32 to index
      %swap3A_92 = arith.constant 96 : index
      %swap3A_93 = tpu.vector_load %arg20[%swap3A_91, %swap3A_92] {strides = array<i32>} : memref<80x128xf32, #tpu.memory_space<vmem>>, vector<16xf32>,
      tpu.vector_store %arg20[%swap3A_91, %swap3A_92], %broadcast_in_dim3A_90 {strides = array<i32>} : memref<80x128xf32, #tpu.memory_space<vmem>>, vector<16xf32>,
      %broadcast_in_dim3A_94 = arith.constant 0.000000e+00 : f32
      %broadcast_in_dim3A_95 = vector.broadcast %broadcast_in_dim3A_94 : f32 to vector<16xf32>
      %swap3A_96 = arith.index_cast %add3A_60 : i32 to index
      %swap3A_97 = arith.constant 112 : index
      %swap3A_98 = tpu.vector_load %arg20[%swap3A_96, %swap3A_97] {strides = array<i32>} : memref<80x128xf32, #tpu.memory_space<vmem>>, vector<16xf32>,
      tpu.vector_store %arg20[%swap3A_96, %swap3A_97], %broadcast_in_dim3A_95 {strides = array<i32>} : memref<80x128xf32, #tpu.memory_space<vmem>>, vector<16xf32>,
    }
    %scan3A_6 = arith.constant 80 : i32
    %sub3A = arith.constant 313 : i32
    %sub3A_7 = arith.subi %sub3A, %arg1 : i32
    %sub3A_8 = arith.constant 16 : i32
    %sub3A_9 = arith.constant 1 : i32
    %sub3A_10 = arith.subi %sub3A_8, %sub3A_9 : i32
    %add3A = arith.addi %sub3A_7, %sub3A_10 : i32
    %div3A = arith.constant 16 : i32
    %div3A_11 = arith.divsi %add3A, %div3A : i32
    %while3A = arith.constant 16 : i32
    %while3A_12 = arith.constant 0 : i32
    %while3A_13 = arith.subi %div3A_11, %while3A_12 : i32
    %while3A_14 = arith.addi %while3A_12, %while3A_13 : i32
    %while3A_15 = arith.constant 1 : i32
    %while3A_16 = arith.divsi %while3A_13, %while3A_15 : i32
    %while3A_17 = arith.muli %while3A_16, %while3A_15 : i32
    %while3A_18 = arith.addi %while3A_12, %while3A_17 : i32
    %while3A_19 = arith.constant 1 : i32
    scf.for %while3A_56 = %while3A_12 to %while3A_18 step %while3A_19  : i32 {
      %mul3A_57 = arith.muli %while3A_56, %while3A : i32
      %add3A_58 = arith.addi %arg1, %mul3A_57 : i32
      %mul3A_59 = arith.constant 16 : i32
      %mul3A_60 = arith.muli %add3A_58, %mul3A_59 : i32
      "tpu.region"() ({
        %run_scoped3A = tpu.sem_alloc : memref<!tpu.dma_semaphore, #tpu.memory_space<semaphore_mem>>
        %dma_start3A_61 = arith.constant 0 : i32
        %dma_start3A_62 = arith.constant 0 : i32
        %dma_start3A_63 = tpu.memref_slice %arg20[%dma_start3A_61, %dma_start3A_62] : memref<80x128xf32, #tpu.memory_space<vmem>> -> memref<16x128xf32, #tpu.memory_space<vmem>>
        %dma_start3A_64 = arith.constant 0 : i32
        %dma_start3A_65 = tpu.memref_slice %arg21[%mul3A_60, %dma_start3A_64] : memref<5008x128xf32, #tpu.memory_space<vmem_shared>> -> memref<16x128xf32, #tpu.memory_space<vmem_shared>>
        %dma_start3A_66 = arith.constant 0 : i32
        %dma_start3A_67 = tpu.memref_slice %arg21[%mul3A_60, %dma_start3A_66] : memref<5008x128xf32, #tpu.memory_space<vmem_shared>> -> memref<16x128xf32, #tpu.memory_space<vmem_shared>>
        %dma_start3A_68 = arith.constant 0 : i32
        %dma_start3A_69 = arith.constant 0 : i32
        %dma_start3A_70 = tpu.memref_slice %arg20[%dma_start3A_68, %dma_start3A_69] : memref<80x128xf32, #tpu.memory_space<vmem>> -> memref<16x128xf32, #tpu.memory_space<vmem>>
        tpu.enqueue_dma source(%dma_start3A_70 : memref<16x128xf32, #tpu.memory_space<vmem>>) target(%dma_start3A_67 : memref<16x128xf32, #tpu.memory_space<vmem_shared>>) target_semaphore(%run_scoped3A : memref<!tpu.dma_semaphore, #tpu.memory_space<semaphore_mem>>)
        %dma_wait3A = arith.constant 0 : i32
        %dma_wait3A_71 = arith.constant 0 : i32
        %dma_wait3A_72 = tpu.memref_slice %arg20[%dma_wait3A, %dma_wait3A_71] : memref<80x128xf32, #tpu.memory_space<vmem>> -> memref<16x128xf32, #tpu.memory_space<vmem>>
        %dma_wait3A_73 = arith.constant 0 : i32
        %dma_wait3A_74 = tpu.memref_slice %arg21[%mul3A_60, %dma_wait3A_73] : memref<5008x128xf32, #tpu.memory_space<vmem_shared>> -> memref<16x128xf32, #tpu.memory_space<vmem_shared>>
        %dma_wait3A_75 = arith.constant 0 : i32
        %dma_wait3A_76 = tpu.memref_slice %arg21[%mul3A_60, %dma_wait3A_75] : memref<5008x128xf32, #tpu.memory_space<vmem_shared>> -> memref<16x128xf32, #tpu.memory_space<vmem_shared>>
        %dma_wait3A_77 = arith.constant 0 : i32
        %dma_wait3A_78 = arith.constant 0 : i32
        %dma_wait3A_79 = tpu.memref_slice %arg20[%dma_wait3A_77, %dma_wait3A_78] : memref<80x128xf32, #tpu.memory_space<vmem>> -> memref<16x128xf32, #tpu.memory_space<vmem>>
        tpu.wait_dma2 semaphore(%run_scoped3A : memref<!tpu.dma_semaphore, #tpu.memory_space<semaphore_mem>>) src(%dma_wait3A_79 : memref<16x128xf32, #tpu.memory_space<vmem>>) dst(%dma_wait3A_76 : memref<16x128xf32, #tpu.memory_space<vmem_shared>>)
        tpu.yield
      }) : () -> ()
    }
    %while3A_20 = arith.constant 1 : i32
    scf.for %while3A_56 = %while3A_18 to %while3A_14 step %while3A_20  : i32 {
      %mul3A_57 = arith.muli %while3A_56, %while3A : i32
      %add3A_58 = arith.addi %arg1, %mul3A_57 : i32
      %mul3A_59 = arith.constant 16 : i32
      %mul3A_60 = arith.muli %add3A_58, %mul3A_59 : i32
      "tpu.region"() ({
        %run_scoped3A = tpu.sem_alloc : memref<!tpu.dma_semaphore, #tpu.memory_space<semaphore_mem>>
        %dma_start3A_61 = arith.constant 0 : i32
        %dma_start3A_62 = arith.constant 0 : i32
        %dma_start3A_63 = tpu.memref_slice %arg20[%dma_start3A_61, %dma_start3A_62] : memref<80x128xf32, #tpu.memory_space<vmem>> -> memref<16x128xf32, #tpu.memory_space<vmem>>
        %dma_start3A_64 = arith.constant 0 : i32
        %dma_start3A_65 = tpu.memref_slice %arg21[%mul3A_60, %dma_start3A_64] : memref<5008x128xf32, #tpu.memory_space<vmem_shared>> -> memref<16x128xf32, #tpu.memory_space<vmem_shared>>
        %dma_start3A_66 = arith.constant 0 : i32
        %dma_start3A_67 = tpu.memref_slice %arg21[%mul3A_60, %dma_start3A_66] : memref<5008x128xf32, #tpu.memory_space<vmem_shared>> -> memref<16x128xf32, #tpu.memory_space<vmem_shared>>
        %dma_start3A_68 = arith.constant 0 : i32
        %dma_start3A_69 = arith.constant 0 : i32
        %dma_start3A_70 = tpu.memref_slice %arg20[%dma_start3A_68, %dma_start3A_69] : memref<80x128xf32, #tpu.memory_space<vmem>> -> memref<16x128xf32, #tpu.memory_space<vmem>>
        tpu.enqueue_dma source(%dma_start3A_70 : memref<16x128xf32, #tpu.memory_space<vmem>>) target(%dma_start3A_67 : memref<16x128xf32, #tpu.memory_space<vmem_shared>>) target_semaphore(%run_scoped3A : memref<!tpu.dma_semaphore, #tpu.memory_space<semaphore_mem>>)
        %dma_wait3A = arith.constant 0 : i32
        %dma_wait3A_71 = arith.constant 0 : i32
        %dma_wait3A_72 = tpu.memref_slice %arg20[%dma_wait3A, %dma_wait3A_71] : memref<80x128xf32, #tpu.memory_space<vmem>> -> memref<16x128xf32, #tpu.memory_space<vmem>>
        %dma_wait3A_73 = arith.constant 0 : i32
        %dma_wait3A_74 = tpu.memref_slice %arg21[%mul3A_60, %dma_wait3A_73] : memref<5008x128xf32, #tpu.memory_space<vmem_shared>> -> memref<16x128xf32, #tpu.memory_space<vmem_shared>>
        %dma_wait3A_75 = arith.constant 0 : i32
        %dma_wait3A_76 = tpu.memref_slice %arg21[%mul3A_60, %dma_wait3A_75] : memref<5008x128xf32, #tpu.memory_space<vmem_shared>> -> memref<16x128xf32, #tpu.memory_space<vmem_shared>>
        %dma_wait3A_77 = arith.constant 0 : i32
        %dma_wait3A_78 = arith.constant 0 : i32
        %dma_wait3A_79 = tpu.memref_slice %arg20[%dma_wait3A_77, %dma_wait3A_78] : memref<80x128xf32, #tpu.memory_space<vmem>> -> memref<16x128xf32, #tpu.memory_space<vmem>>
        tpu.wait_dma2 semaphore(%run_scoped3A : memref<!tpu.dma_semaphore, #tpu.memory_space<semaphore_mem>>) src(%dma_wait3A_79 : memref<16x128xf32, #tpu.memory_space<vmem>>) dst(%dma_wait3A_76 : memref<16x128xf32, #tpu.memory_space<vmem_shared>>)
        tpu.yield
      }) : () -> ()
    }
    "tpu.region"() ({
      %run_scoped3A = tpu.sem_alloc : memref<!tpu.dma_semaphore, #tpu.memory_space<semaphore_mem>>
      tpu.enqueue_dma source(%arg3 : memref<10000xf32, #tpu.memory_space<hbm>>) target(%arg19 : memref<10000xf32, #tpu.memory_space<vmem>>) target_semaphore(%run_scoped3A : memref<!tpu.dma_semaphore, #tpu.memory_space<semaphore_mem>>)
      tpu.wait_dma2 semaphore(%run_scoped3A : memref<!tpu.dma_semaphore, #tpu.memory_space<semaphore_mem>>) src(%arg3 : memref<10000xf32, #tpu.memory_space<hbm>>) dst(%arg19 : memref<10000xf32, #tpu.memory_space<vmem>>)
      tpu.yield
    }) : () -> ()
    %barrier3A = arith.constant 0 : index
    tpu.barrier barrier_id(%barrier3A)
    %mul3A_21 = arith.constant 20000 : i32
    %mul3A_22 = arith.muli %arg1, %mul3A_21 : i32
    %add3A_23 = arith.constant 0 : i32
    %add3A_24 = arith.addi %mul3A_22, %add3A_23 : i32
    "tpu.region"() ({
      %run_scoped3A = tpu.sem_alloc : memref<!tpu.dma_semaphore, #tpu.memory_space<semaphore_mem>>
      %dma_start3A_56 = tpu.memref_slice %arg4[%add3A_24] : memref<320000xi32, #tpu.memory_space<hbm>> -> memref<80xi32, #tpu.memory_space<hbm>>
      %dma_start3A_57 = tpu.memref_slice %arg4[%add3A_24] : memref<320000xi32, #tpu.memory_space<hbm>> -> memref<80xi32, #tpu.memory_space<hbm>>
      tpu.enqueue_dma source(%dma_start3A_57 : memref<80xi32, #tpu.memory_space<hbm>>) target(%arg7 : memref<80xi32, #tpu.memory_space<vmem>>) target_semaphore(%run_scoped3A : memref<!tpu.dma_semaphore, #tpu.memory_space<semaphore_mem>>)
      %dma_wait3A = tpu.memref_slice %arg4[%add3A_24] : memref<320000xi32, #tpu.memory_space<hbm>> -> memref<80xi32, #tpu.memory_space<hbm>>
      %dma_wait3A_58 = tpu.memref_slice %arg4[%add3A_24] : memref<320000xi32, #tpu.memory_space<hbm>> -> memref<80xi32, #tpu.memory_space<hbm>>
      tpu.wait_dma2 semaphore(%run_scoped3A : memref<!tpu.dma_semaphore, #tpu.memory_space<semaphore_mem>>) src(%dma_wait3A_58 : memref<80xi32, #tpu.memory_space<hbm>>) dst(%arg7 : memref<80xi32, #tpu.memory_space<vmem>>)
      tpu.yield
    }) : () -> ()
    %scan3A_25 = arith.constant 0 : i32
    %scan3A_26 = arith.constant 5 : i32
    %scan3A_27 = arith.addi %scan3A_25, %scan3A_26 : i32
    %scan3A_28 = arith.constant 1 : i32
    scf.for %scan3A_56 = %scan3A_25 to %scan3A_27 step %scan3A_28  : i32 {
      %mul3A_57 = arith.constant 1 : i32
      %mul3A_58 = arith.muli %scan3A_56, %mul3A_57 : i32
      %add3A_59 = arith.constant 0 : i32
      %add3A_60 = arith.addi %add3A_59, %mul3A_58 : i32
      %mul3A_61 = arith.constant 16 : i32
      %mul3A_62 = arith.muli %add3A_60, %mul3A_61 : i32
      %get3A = arith.index_cast %mul3A_62 : i32 to index
      %get3A_63 = tpu.vector_load %arg7[%get3A] {strides = array<i32>} : memref<80xi32, #tpu.memory_space<vmem>>, vector<16xi32>,
      %and3A = arith.constant 16383 : i32
      %and3A_64 = vector.broadcast %and3A : i32 to vector<16xi32>
      %and3A_65 = arith.andi %get3A_63, %and3A_64 : vector<16xi32>
      %shift_right_logical3A = arith.constant 14 : i32
      %shift_right_logical3A_66 = vector.broadcast %shift_right_logical3A : i32 to vector<16xi32>
      %shift_right_logical3A_67 = arith.shrui %get3A_63, %shift_right_logical3A_66 : vector<16xi32>
      %mul3A_68 = arith.constant 16 : i32
      %mul3A_69 = arith.muli %add3A_60, %mul3A_68 : i32
      %swap3A = arith.index_cast %mul3A_69 : i32 to index
      %swap3A_70 = tpu.vector_load %arg9[%swap3A] {strides = array<i32>} : memref<160xi32, #tpu.memory_space<vmem>>, vector<16xi32>,
      tpu.vector_store %arg9[%swap3A], %shift_right_logical3A_67 {strides = array<i32>} : memref<160xi32, #tpu.memory_space<vmem>>, vector<16xi32>,
      %add3A_71 = arith.constant 10000 : i32
      %add3A_72 = vector.broadcast %add3A_71 : i32 to vector<16xi32>
      %add3A_73 = arith.addi %and3A_65, %add3A_72 : vector<16xi32>
      %mul3A_74 = arith.constant 16 : i32
      %mul3A_75 = arith.muli %add3A_60, %mul3A_74 : i32
      %add3A_76 = arith.constant 80 : i32
      %add3A_77 = arith.addi %add3A_76, %mul3A_75 : i32
      %swap3A_78 = arith.index_cast %add3A_77 : i32 to index
      %swap3A_79 = tpu.vector_load %arg9[%swap3A_78] {strides = array<i32>} : memref<160xi32, #tpu.memory_space<vmem>>, vector<16xi32>,
      tpu.vector_store %arg9[%swap3A_78], %add3A_73 {strides = array<i32>} : memref<160xi32, #tpu.memory_space<vmem>>, vector<16xi32>,
      %mul3A_80 = arith.constant 16 : i32
      %mul3A_81 = arith.muli %add3A_60, %mul3A_80 : i32
      %swap3A_82 = arith.index_cast %mul3A_81 : i32 to index
      %swap3A_83 = tpu.vector_load %arg11[%swap3A_82] {strides = array<i32>} : memref<80xi32, #tpu.memory_space<vmem>>, vector<16xi32>,
      tpu.vector_store %arg11[%swap3A_82], %and3A_65 {strides = array<i32>} : memref<80xi32, #tpu.memory_space<vmem>>, vector<16xi32>,
      %sub3A_84 = vector.broadcast %mul3A_2 : i32 to vector<16xi32>
      %sub3A_85 = arith.subi %and3A_65, %sub3A_84 : vector<16xi32>
      %ge3A = arith.constant 0 : i32
      %ge3A_86 = vector.broadcast %ge3A : i32 to vector<16xi32>
      %ge3A_87 = arith.cmpi sge, %sub3A_85, %ge3A_86 : vector<16xi32>
      %lt3A = arith.constant 5000 : i32
      %lt3A_88 = vector.broadcast %lt3A : i32 to vector<16xi32>
      %lt3A_89 = arith.cmpi slt, %sub3A_85, %lt3A_88 : vector<16xi32>
      %and3A_90 = arith.andi %ge3A_87, %lt3A_89 : vector<16xi1>
      %jit3A = arith.constant 5000 : i32
      %broadcast_in_dim3A = vector.broadcast %jit3A : i32 to vector<16xi32>
      %select_n3A = arith.select %and3A_90, %sub3A_85, %broadcast_in_dim3A : vector<16xi1>, vector<16xi32>
      %mul3A_91 = arith.constant 16 : i32
      %mul3A_92 = arith.muli %add3A_60, %mul3A_91 : i32
      %swap3A_93 = arith.index_cast %mul3A_92 : i32 to index
      %swap3A_94 = tpu.vector_load %arg13[%swap3A_93] {strides = array<i32>} : memref<80xi32, #tpu.memory_space<vmem>>, vector<16xi32>,
      tpu.vector_store %arg13[%swap3A_93], %select_n3A {strides = array<i32>} : memref<80xi32, #tpu.memory_space<vmem>>, vector<16xi32>,
      %shift_right_logical3A_95 = arith.constant 14 : i32
      %shift_right_logical3A_96 = vector.broadcast %shift_right_logical3A_95 : i32 to vector<16xi32>
      %shift_right_logical3A_97 = arith.shrui %get3A_63, %shift_right_logical3A_96 : vector<16xi32>
      %gather3A = tpu.vector_load_idx %arg19[%shift_right_logical3A_97] : memref<10000xf32, #tpu.memory_space<vmem>>[vector<16xi32>], vector<16xf32>,
      %mul3A_98 = arith.constant 16 : i32
      %mul3A_99 = arith.muli %add3A_60, %mul3A_98 : i32
      %swap3A_100 = arith.index_cast %mul3A_99 : i32 to index
      %swap3A_101 = tpu.vector_load %arg17[%swap3A_100] {strides = array<i32>} : memref<80xf32, #tpu.memory_space<vmem>>, vector<16xf32>,
      tpu.vector_store %arg17[%swap3A_100], %gather3A {strides = array<i32>} : memref<80xf32, #tpu.memory_space<vmem>>, vector<16xf32>,
    }
    %scan3A_29 = arith.constant 5 : i32
    %dma_start3A = arith.constant 0 : i32
    %dma_start3A_30 = arith.constant 0 : i32
    %dma_start3A_31 = tpu.memref_slice %arg2[%dma_start3A, %dma_start3A_30] : memref<20000x128xf32, #tpu.memory_space<hbm>> -> memref<20000x128xf32, #tpu.memory_space<hbm>>
    tpu.enqueue_indirect_dma source(%dma_start3A_31 : memref<20000x128xf32, #tpu.memory_space<hbm>>) target(%arg15 : memref<160x128xf32, #tpu.memory_space<vmem>>) offsets(%arg9 : memref<160xi32, #tpu.memory_space<vmem>>) semaphore(%arg22 : memref<!tpu.dma_semaphore, #tpu.memory_space<semaphore_mem>>)
    %scan3A_32 = arith.constant 0 : i32
    %scan3A_33 = arith.constant 125 : i32
    %scan3A_34 = arith.addi %scan3A_32, %scan3A_33 : i32
    %scan3A_35 = arith.constant 1 : i32
    scf.for %scan3A_56 = %scan3A_32 to %scan3A_34 step %scan3A_35  : i32 {
      %mul3A_57 = arith.constant 2 : i32
      %mul3A_58 = arith.muli %scan3A_56, %mul3A_57 : i32
      %add3A_59 = arith.constant 0 : i32
      %add3A_60 = arith.addi %add3A_59, %mul3A_58 : i32
      %add3A_61 = arith.constant 1 : i32
      %add3A_62 = arith.addi %add3A_60, %add3A_61 : i32
      %mul3A_63 = arith.constant 20000 : i32
      %mul3A_64 = arith.muli %arg1, %mul3A_63 : i32
      %mul3A_65 = arith.constant 80 : i32
      %mul3A_66 = arith.muli %add3A_62, %mul3A_65 : i32
      %add3A_67 = arith.addi %mul3A_64, %mul3A_66 : i32
      "tpu.region"() ({
        %run_scoped3A = tpu.sem_alloc : memref<!tpu.dma_semaphore, #tpu.memory_space<semaphore_mem>>
        %dma_start3A_95 = tpu.memref_slice %arg4[%add3A_67] : memref<320000xi32, #tpu.memory_space<hbm>> -> memref<80xi32, #tpu.memory_space<hbm>>
        %dma_start3A_96 = tpu.memref_slice %arg4[%add3A_67] : memref<320000xi32, #tpu.memory_space<hbm>> -> memref<80xi32, #tpu.memory_space<hbm>>
        tpu.enqueue_dma source(%dma_start3A_96 : memref<80xi32, #tpu.memory_space<hbm>>) target(%arg8 : memref<80xi32, #tpu.memory_space<vmem>>) target_semaphore(%run_scoped3A : memref<!tpu.dma_semaphore, #tpu.memory_space<semaphore_mem>>)
        %dma_wait3A_97 = tpu.memref_slice %arg4[%add3A_67] : memref<320000xi32, #tpu.memory_space<hbm>> -> memref<80xi32, #tpu.memory_space<hbm>>
        %dma_wait3A_98 = tpu.memref_slice %arg4[%add3A_67] : memref<320000xi32, #tpu.memory_space<hbm>> -> memref<80xi32, #tpu.memory_space<hbm>>
        tpu.wait_dma2 semaphore(%run_scoped3A : memref<!tpu.dma_semaphore, #tpu.memory_space<semaphore_mem>>) src(%dma_wait3A_98 : memref<80xi32, #tpu.memory_space<hbm>>) dst(%arg8 : memref<80xi32, #tpu.memory_space<vmem>>)
        tpu.yield
      }) : () -> ()
      %scan3A_68 = arith.constant 0 : i32
      %scan3A_69 = arith.constant 5 : i32
      %scan3A_70 = arith.addi %scan3A_68, %scan3A_69 : i32
      %scan3A_71 = arith.constant 1 : i32
      scf.for %scan3A_95 = %scan3A_68 to %scan3A_70 step %scan3A_71  : i32 {
        %mul3A_96 = arith.constant 1 : i32
        %mul3A_97 = arith.muli %scan3A_95, %mul3A_96 : i32
        %add3A_98 = arith.constant 0 : i32
        %add3A_99 = arith.addi %add3A_98, %mul3A_97 : i32
        %mul3A_100 = arith.constant 16 : i32
        %mul3A_101 = arith.muli %add3A_99, %mul3A_100 : i32
        %get3A = arith.index_cast %mul3A_101 : i32 to index
        %get3A_102 = tpu.vector_load %arg8[%get3A] {strides = array<i32>} : memref<80xi32, #tpu.memory_space<vmem>>, vector<16xi32>,
        %and3A = arith.constant 16383 : i32
        %and3A_103 = vector.broadcast %and3A : i32 to vector<16xi32>
        %and3A_104 = arith.andi %get3A_102, %and3A_103 : vector<16xi32>
        %shift_right_logical3A = arith.constant 14 : i32
        %shift_right_logical3A_105 = vector.broadcast %shift_right_logical3A : i32 to vector<16xi32>
        %shift_right_logical3A_106 = arith.shrui %get3A_102, %shift_right_logical3A_105 : vector<16xi32>
        %mul3A_107 = arith.constant 16 : i32
        %mul3A_108 = arith.muli %add3A_99, %mul3A_107 : i32
        %swap3A = arith.index_cast %mul3A_108 : i32 to index
        %swap3A_109 = tpu.vector_load %arg10[%swap3A] {strides = array<i32>} : memref<160xi32, #tpu.memory_space<vmem>>, vector<16xi32>,
        tpu.vector_store %arg10[%swap3A], %shift_right_logical3A_106 {strides = array<i32>} : memref<160xi32, #tpu.memory_space<vmem>>, vector<16xi32>,
        %add3A_110 = arith.constant 10000 : i32
        %add3A_111 = vector.broadcast %add3A_110 : i32 to vector<16xi32>
        %add3A_112 = arith.addi %and3A_104, %add3A_111 : vector<16xi32>
        %mul3A_113 = arith.constant 16 : i32
        %mul3A_114 = arith.muli %add3A_99, %mul3A_113 : i32
        %add3A_115 = arith.constant 80 : i32
        %add3A_116 = arith.addi %add3A_115, %mul3A_114 : i32
        %swap3A_117 = arith.index_cast %add3A_116 : i32 to index
        %swap3A_118 = tpu.vector_load %arg10[%swap3A_117] {strides = array<i32>} : memref<160xi32, #tpu.memory_space<vmem>>, vector<16xi32>,
        tpu.vector_store %arg10[%swap3A_117], %add3A_112 {strides = array<i32>} : memref<160xi32, #tpu.memory_space<vmem>>, vector<16xi32>,
        %mul3A_119 = arith.constant 16 : i32
        %mul3A_120 = arith.muli %add3A_99, %mul3A_119 : i32
        %swap3A_121 = arith.index_cast %mul3A_120 : i32 to index
        %swap3A_122 = tpu.vector_load %arg12[%swap3A_121] {strides = array<i32>} : memref<80xi32, #tpu.memory_space<vmem>>, vector<16xi32>,
        tpu.vector_store %arg12[%swap3A_121], %and3A_104 {strides = array<i32>} : memref<80xi32, #tpu.memory_space<vmem>>, vector<16xi32>,
        %sub3A_123 = vector.broadcast %mul3A_2 : i32 to vector<16xi32>
        %sub3A_124 = arith.subi %and3A_104, %sub3A_123 : vector<16xi32>
        %ge3A = arith.constant 0 : i32
        %ge3A_125 = vector.broadcast %ge3A : i32 to vector<16xi32>
        %ge3A_126 = arith.cmpi sge, %sub3A_124, %ge3A_125 : vector<16xi32>
        %lt3A_127 = arith.constant 5000 : i32
        %lt3A_128 = vector.broadcast %lt3A_127 : i32 to vector<16xi32>
        %lt3A_129 = arith.cmpi slt, %sub3A_124, %lt3A_128 : vector<16xi32>
        %and3A_130 = arith.andi %ge3A_126, %lt3A_129 : vector<16xi1>
        %jit3A = arith.constant 5000 : i32
        %broadcast_in_dim3A = vector.broadcast %jit3A : i32 to vector<16xi32>
        %select_n3A = arith.select %and3A_130, %sub3A_124, %broadcast_in_dim3A : vector<16xi1>, vector<16xi32>
        %mul3A_131 = arith.constant 16 : i32
        %mul3A_132 = arith.muli %add3A_99, %mul3A_131 : i32
        %swap3A_133 = arith.index_cast %mul3A_132 : i32 to index
        %swap3A_134 = tpu.vector_load %arg14[%swap3A_133] {strides = array<i32>} : memref<80xi32, #tpu.memory_space<vmem>>, vector<16xi32>,
        tpu.vector_store %arg14[%swap3A_133], %select_n3A {strides = array<i32>} : memref<80xi32, #tpu.memory_space<vmem>>, vector<16xi32>,
        %shift_right_logical3A_135 = arith.constant 14 : i32
        %shift_right_logical3A_136 = vector.broadcast %shift_right_logical3A_135 : i32 to vector<16xi32>
        %shift_right_logical3A_137 = arith.shrui %get3A_102, %shift_right_logical3A_136 : vector<16xi32>
        %gather3A = tpu.vector_load_idx %arg19[%shift_right_logical3A_137] : memref<10000xf32, #tpu.memory_space<vmem>>[vector<16xi32>], vector<16xf32>,
        %mul3A_138 = arith.constant 16 : i32
        %mul3A_139 = arith.muli %add3A_99, %mul3A_138 : i32
        %swap3A_140 = arith.index_cast %mul3A_139 : i32 to index
        %swap3A_141 = tpu.vector_load %arg18[%swap3A_140] {strides = array<i32>} : memref<80xf32, #tpu.memory_space<vmem>>, vector<16xf32>,
        tpu.vector_store %arg18[%swap3A_140], %gather3A {strides = array<i32>} : memref<80xf32, #tpu.memory_space<vmem>>, vector<16xf32>,
      }
      %scan3A_72 = arith.constant 5 : i32
      %dma_start3A_73 = arith.constant 0 : i32
      %dma_start3A_74 = arith.constant 0 : i32
      %dma_start3A_75 = tpu.memref_slice %arg2[%dma_start3A_73, %dma_start3A_74] : memref<20000x128xf32, #tpu.memory_space<hbm>> -> memref<20000x128xf32, #tpu.memory_space<hbm>>
      tpu.enqueue_indirect_dma source(%dma_start3A_75 : memref<20000x128xf32, #tpu.memory_space<hbm>>) target(%arg16 : memref<160x128xf32, #tpu.memory_space<vmem>>) offsets(%arg10 : memref<160xi32, #tpu.memory_space<vmem>>) semaphore(%arg23 : memref<!tpu.dma_semaphore, #tpu.memory_space<semaphore_mem>>)
      %dma_wait3A = arith.constant 0 : i32
      %dma_wait3A_76 = arith.constant 0 : i32
      %dma_wait3A_77 = tpu.memref_slice %arg2[%dma_wait3A, %dma_wait3A_76] : memref<20000x128xf32, #tpu.memory_space<hbm>> -> memref<20000x128xf32, #tpu.memory_space<hbm>>
      tpu.wait_indirect_dma semaphore(%arg22 : memref<!tpu.dma_semaphore, #tpu.memory_space<semaphore_mem>>) src(%dma_wait3A_77 : memref<20000x128xf32, #tpu.memory_space<hbm>>) dst(%arg15 : memref<160x128xf32, #tpu.memory_space<vmem>>)
      %scan3A_78 = arith.constant 0 : i32
      %scan3A_79 = arith.constant 80 : i32
      %scan3A_80 = arith.addi %scan3A_78, %scan3A_79 : i32
      %scan3A_81 = arith.constant 1 : i32
      scf.for %scan3A_95 = %scan3A_78 to %scan3A_80 step %scan3A_81  : i32 {
        %mul3A_96 = arith.constant 1 : i32
        %mul3A_97 = arith.muli %scan3A_95, %mul3A_96 : i32
        %add3A_98 = arith.constant 0 : i32
        %add3A_99 = arith.addi %add3A_98, %mul3A_97 : i32
        %broadcast_in_dim3A = vector.broadcast %add3A_99 : i32 to vector<16xi32>
        %gather3A = tpu.vector_load_idx %arg11[%broadcast_in_dim3A] : memref<80xi32, #tpu.memory_space<vmem>>[vector<16xi32>], vector<16xi32>,
        %gather3A_100 = tpu.vector_load_idx %arg17[%broadcast_in_dim3A] : memref<80xf32, #tpu.memory_space<vmem>>[vector<16xi32>], vector<16xf32>,
        %get3A = arith.index_cast %add3A_99 : i32 to index
        %get3A_101 = arith.constant 0 : index
        %get3A_102 = tpu.vector_load %arg15[%get3A, %get3A_101] {strides = array<i32>} : memref<160x128xf32, #tpu.memory_space<vmem>>, vector<16xf32>,
        %add3A_103 = arith.constant 80 : i32
        %add3A_104 = arith.addi %add3A_103, %add3A_99 : i32
        %get3A_105 = arith.index_cast %add3A_104 : i32 to index
        %get3A_106 = arith.constant 0 : index
        %get3A_107 = tpu.vector_load %arg15[%get3A_105, %get3A_106] {strides = array<i32>} : memref<160x128xf32, #tpu.memory_space<vmem>>, vector<16xf32>,
        %add3A_108 = arith.addf %get3A_102, %get3A_107 : vector<16xf32>
        %max3A = arith.constant 0.000000e+00 : f32
        %max3A_109 = vector.broadcast %max3A : f32 to vector<16xf32>
        %max3A_110 = arith.maximumf %add3A_108, %max3A_109 : vector<16xf32>
        %mul3A_111 = arith.mulf %max3A_110, %gather3A_100 : vector<16xf32>
        %swap3A = arith.index_cast %add3A_99 : i32 to index
        %swap3A_112 = arith.constant 0 : index
        %swap3A_113 = tpu.vector_load %arg15[%swap3A, %swap3A_112] {strides = array<i32>} : memref<160x128xf32, #tpu.memory_space<vmem>>, vector<16xf32>,
        tpu.vector_store %arg15[%swap3A, %swap3A_112], %mul3A_111 {strides = array<i32>} : memref<160x128xf32, #tpu.memory_space<vmem>>, vector<16xf32>,
        %get3A_114 = arith.index_cast %add3A_99 : i32 to index
        %get3A_115 = arith.constant 16 : index
        %get3A_116 = tpu.vector_load %arg15[%get3A_114, %get3A_115] {strides = array<i32>} : memref<160x128xf32, #tpu.memory_space<vmem>>, vector<16xf32>,
        %add3A_117 = arith.constant 80 : i32
        %add3A_118 = arith.addi %add3A_117, %add3A_99 : i32
        %get3A_119 = arith.index_cast %add3A_118 : i32 to index
        %get3A_120 = arith.constant 16 : index
        %get3A_121 = tpu.vector_load %arg15[%get3A_119, %get3A_120] {strides = array<i32>} : memref<160x128xf32, #tpu.memory_space<vmem>>, vector<16xf32>,
        %add3A_122 = arith.addf %get3A_116, %get3A_121 : vector<16xf32>
        %max3A_123 = arith.constant 0.000000e+00 : f32
        %max3A_124 = vector.broadcast %max3A_123 : f32 to vector<16xf32>
        %max3A_125 = arith.maximumf %add3A_122, %max3A_124 : vector<16xf32>
        %mul3A_126 = arith.mulf %max3A_125, %gather3A_100 : vector<16xf32>
        %swap3A_127 = arith.index_cast %add3A_99 : i32 to index
        %swap3A_128 = arith.constant 16 : index
        %swap3A_129 = tpu.vector_load %arg15[%swap3A_127, %swap3A_128] {strides = array<i32>} : memref<160x128xf32, #tpu.memory_space<vmem>>, vector<16xf32>,
        tpu.vector_store %arg15[%swap3A_127, %swap3A_128], %mul3A_126 {strides = array<i32>} : memref<160x128xf32, #tpu.memory_space<vmem>>, vector<16xf32>,
        %get3A_130 = arith.index_cast %add3A_99 : i32 to index
        %get3A_131 = arith.constant 32 : index
        %get3A_132 = tpu.vector_load %arg15[%get3A_130, %get3A_131] {strides = array<i32>} : memref<160x128xf32, #tpu.memory_space<vmem>>, vector<16xf32>,
        %add3A_133 = arith.constant 80 : i32
        %add3A_134 = arith.addi %add3A_133, %add3A_99 : i32
        %get3A_135 = arith.index_cast %add3A_134 : i32 to index
        %get3A_136 = arith.constant 32 : index
        %get3A_137 = tpu.vector_load %arg15[%get3A_135, %get3A_136] {strides = array<i32>} : memref<160x128xf32, #tpu.memory_space<vmem>>, vector<16xf32>,
        %add3A_138 = arith.addf %get3A_132, %get3A_137 : vector<16xf32>
        %max3A_139 = arith.constant 0.000000e+00 : f32
        %max3A_140 = vector.broadcast %max3A_139 : f32 to vector<16xf32>
        %max3A_141 = arith.maximumf %add3A_138, %max3A_140 : vector<16xf32>
        %mul3A_142 = arith.mulf %max3A_141, %gather3A_100 : vector<16xf32>
        %swap3A_143 = arith.index_cast %add3A_99 : i32 to index
        %swap3A_144 = arith.constant 32 : index
        %swap3A_145 = tpu.vector_load %arg15[%swap3A_143, %swap3A_144] {strides = array<i32>} : memref<160x128xf32, #tpu.memory_space<vmem>>, vector<16xf32>,
        tpu.vector_store %arg15[%swap3A_143, %swap3A_144], %mul3A_142 {strides = array<i32>} : memref<160x128xf32, #tpu.memory_space<vmem>>, vector<16xf32>,
        %get3A_146 = arith.index_cast %add3A_99 : i32 to index
        %get3A_147 = arith.constant 48 : index
        %get3A_148 = tpu.vector_load %arg15[%get3A_146, %get3A_147] {strides = array<i32>} : memref<160x128xf32, #tpu.memory_space<vmem>>, vector<16xf32>,
        %add3A_149 = arith.constant 80 : i32
        %add3A_150 = arith.addi %add3A_149, %add3A_99 : i32
        %get3A_151 = arith.index_cast %add3A_150 : i32 to index
        %get3A_152 = arith.constant 48 : index
        %get3A_153 = tpu.vector_load %arg15[%get3A_151, %get3A_152] {strides = array<i32>} : memref<160x128xf32, #tpu.memory_space<vmem>>, vector<16xf32>,
        %add3A_154 = arith.addf %get3A_148, %get3A_153 : vector<16xf32>
        %max3A_155 = arith.constant 0.000000e+00 : f32
        %max3A_156 = vector.broadcast %max3A_155 : f32 to vector<16xf32>
        %max3A_157 = arith.maximumf %add3A_154, %max3A_156 : vector<16xf32>
        %mul3A_158 = arith.mulf %max3A_157, %gather3A_100 : vector<16xf32>
        %swap3A_159 = arith.index_cast %add3A_99 : i32 to index
        %swap3A_160 = arith.constant 48 : index
        %swap3A_161 = tpu.vector_load %arg15[%swap3A_159, %swap3A_160] {strides = array<i32>} : memref<160x128xf32, #tpu.memory_space<vmem>>, vector<16xf32>,
        tpu.vector_store %arg15[%swap3A_159, %swap3A_160], %mul3A_158 {strides = array<i32>} : memref<160x128xf32, #tpu.memory_space<vmem>>, vector<16xf32>,
        %get3A_162 = arith.index_cast %add3A_99 : i32 to index
        %get3A_163 = arith.constant 64 : index
        %get3A_164 = tpu.vector_load %arg15[%get3A_162, %get3A_163] {strides = array<i32>} : memref<160x128xf32, #tpu.memory_space<vmem>>, vector<16xf32>,
        %add3A_165 = arith.constant 80 : i32
        %add3A_166 = arith.addi %add3A_165, %add3A_99 : i32
        %get3A_167 = arith.index_cast %add3A_166 : i32 to index
        %get3A_168 = arith.constant 64 : index
        %get3A_169 = tpu.vector_load %arg15[%get3A_167, %get3A_168] {strides = array<i32>} : memref<160x128xf32, #tpu.memory_space<vmem>>, vector<16xf32>,
        %add3A_170 = arith.addf %get3A_164, %get3A_169 : vector<16xf32>
        %max3A_171 = arith.constant 0.000000e+00 : f32
        %max3A_172 = vector.broadcast %max3A_171 : f32 to vector<16xf32>
        %max3A_173 = arith.maximumf %add3A_170, %max3A_172 : vector<16xf32>
        %mul3A_174 = arith.mulf %max3A_173, %gather3A_100 : vector<16xf32>
        %swap3A_175 = arith.index_cast %add3A_99 : i32 to index
        %swap3A_176 = arith.constant 64 : index
        %swap3A_177 = tpu.vector_load %arg15[%swap3A_175, %swap3A_176] {strides = array<i32>} : memref<160x128xf32, #tpu.memory_space<vmem>>, vector<16xf32>,
        tpu.vector_store %arg15[%swap3A_175, %swap3A_176], %mul3A_174 {strides = array<i32>} : memref<160x128xf32, #tpu.memory_space<vmem>>, vector<16xf32>,
        %get3A_178 = arith.index_cast %add3A_99 : i32 to index
        %get3A_179 = arith.constant 80 : index
        %get3A_180 = tpu.vector_load %arg15[%get3A_178, %get3A_179] {strides = array<i32>} : memref<160x128xf32, #tpu.memory_space<vmem>>, vector<16xf32>,
        %add3A_181 = arith.constant 80 : i32
        %add3A_182 = arith.addi %add3A_181, %add3A_99 : i32
        %get3A_183 = arith.index_cast %add3A_182 : i32 to index
        %get3A_184 = arith.constant 80 : index
        %get3A_185 = tpu.vector_load %arg15[%get3A_183, %get3A_184] {strides = array<i32>} : memref<160x128xf32, #tpu.memory_space<vmem>>, vector<16xf32>,
        %add3A_186 = arith.addf %get3A_180, %get3A_185 : vector<16xf32>
        %max3A_187 = arith.constant 0.000000e+00 : f32
        %max3A_188 = vector.broadcast %max3A_187 : f32 to vector<16xf32>
        %max3A_189 = arith.maximumf %add3A_186, %max3A_188 : vector<16xf32>
        %mul3A_190 = arith.mulf %max3A_189, %gather3A_100 : vector<16xf32>
        %swap3A_191 = arith.index_cast %add3A_99 : i32 to index
        %swap3A_192 = arith.constant 80 : index
        %swap3A_193 = tpu.vector_load %arg15[%swap3A_191, %swap3A_192] {strides = array<i32>} : memref<160x128xf32, #tpu.memory_space<vmem>>, vector<16xf32>,
        tpu.vector_store %arg15[%swap3A_191, %swap3A_192], %mul3A_190 {strides = array<i32>} : memref<160x128xf32, #tpu.memory_space<vmem>>, vector<16xf32>,
        %get3A_194 = arith.index_cast %add3A_99 : i32 to index
        %get3A_195 = arith.constant 96 : index
        %get3A_196 = tpu.vector_load %arg15[%get3A_194, %get3A_195] {strides = array<i32>} : memref<160x128xf32, #tpu.memory_space<vmem>>, vector<16xf32>,
        %add3A_197 = arith.constant 80 : i32
        %add3A_198 = arith.addi %add3A_197, %add3A_99 : i32
        %get3A_199 = arith.index_cast %add3A_198 : i32 to index
        %get3A_200 = arith.constant 96 : index
        %get3A_201 = tpu.vector_load %arg15[%get3A_199, %get3A_200] {strides = array<i32>} : memref<160x128xf32, #tpu.memory_space<vmem>>, vector<16xf32>,
        %add3A_202 = arith.addf %get3A_196, %get3A_201 : vector<16xf32>
        %max3A_203 = arith.constant 0.000000e+00 : f32
        %max3A_204 = vector.broadcast %max3A_203 : f32 to vector<16xf32>
        %max3A_205 = arith.maximumf %add3A_202, %max3A_204 : vector<16xf32>
        %mul3A_206 = arith.mulf %max3A_205, %gather3A_100 : vector<16xf32>
        %swap3A_207 = arith.index_cast %add3A_99 : i32 to index
        %swap3A_208 = arith.constant 96 : index
        %swap3A_209 = tpu.vector_load %arg15[%swap3A_207, %swap3A_208] {strides = array<i32>} : memref<160x128xf32, #tpu.memory_space<vmem>>, vector<16xf32>,
        tpu.vector_store %arg15[%swap3A_207, %swap3A_208], %mul3A_206 {strides = array<i32>} : memref<160x128xf32, #tpu.memory_space<vmem>>, vector<16xf32>,
        %get3A_210 = arith.index_cast %add3A_99 : i32 to index
        %get3A_211 = arith.constant 112 : index
        %get3A_212 = tpu.vector_load %arg15[%get3A_210, %get3A_211] {strides = array<i32>} : memref<160x128xf32, #tpu.memory_space<vmem>>, vector<16xf32>,
        %add3A_213 = arith.constant 80 : i32
        %add3A_214 = arith.addi %add3A_213, %add3A_99 : i32
        %get3A_215 = arith.index_cast %add3A_214 : i32 to index
        %get3A_216 = arith.constant 112 : index
        %get3A_217 = tpu.vector_load %arg15[%get3A_215, %get3A_216] {strides = array<i32>} : memref<160x128xf32, #tpu.memory_space<vmem>>, vector<16xf32>,
        %add3A_218 = arith.addf %get3A_212, %get3A_217 : vector<16xf32>
        %max3A_219 = arith.constant 0.000000e+00 : f32
        %max3A_220 = vector.broadcast %max3A_219 : f32 to vector<16xf32>
        %max3A_221 = arith.maximumf %add3A_218, %max3A_220 : vector<16xf32>
        %mul3A_222 = arith.mulf %max3A_221, %gather3A_100 : vector<16xf32>
        %swap3A_223 = arith.index_cast %add3A_99 : i32 to index
        %swap3A_224 = arith.constant 112 : index
        %swap3A_225 = tpu.vector_load %arg15[%swap3A_223, %swap3A_224] {strides = array<i32>} : memref<160x128xf32, #tpu.memory_space<vmem>>, vector<16xf32>,
        tpu.vector_store %arg15[%swap3A_223, %swap3A_224], %mul3A_222 {strides = array<i32>} : memref<160x128xf32, #tpu.memory_space<vmem>>, vector<16xf32>,
        %ge3A = vector.broadcast %mul3A_2 : i32 to vector<16xi32>
        %ge3A_226 = arith.cmpi sge, %gather3A, %ge3A : vector<16xi32>
        %add3A_227 = arith.constant 5000 : i32
        %add3A_228 = arith.addi %mul3A_2, %add3A_227 : i32
        %lt3A_229 = vector.broadcast %add3A_228 : i32 to vector<16xi32>
        %lt3A_230 = arith.cmpi slt, %gather3A, %lt3A_229 : vector<16xi32>
        %and3A = arith.andi %ge3A_226, %lt3A_230 : vector<16xi1>
        %and3A_231 = arith.andi %eq3A_1, %and3A : vector<16xi1>
        %shift_right_logical3A = arith.constant 7 : i32
        %shift_right_logical3A_232 = vector.broadcast %shift_right_logical3A : i32 to vector<16xi32>
        %shift_right_logical3A_233 = arith.shrui %gather3A, %shift_right_logical3A_232 : vector<16xi32>
        %and3A_234 = arith.constant 127 : i32
        %and3A_235 = vector.broadcast %and3A_234 : i32 to vector<16xi32>
        %and3A_236 = arith.andi %gather3A, %and3A_235 : vector<16xi32>
        tpu.vector_store_idx %arg20[%shift_right_logical3A_233, %and3A_236], %gather3A_100 masked %and3A_231 {add = true} : memref<80x128xf32, #tpu.memory_space<vmem>>[vector<16xi32>, vector<16xi32>], vector<16xf32>, vector<16xi1>
      }
      %scan3A_82 = arith.constant 80 : i32
      "tpu.region"() ({
        %run_scoped3A = tpu.sem_alloc : memref<!tpu.dma_semaphore, #tpu.memory_space<semaphore_mem>>
        %dma_start3A_95 = arith.constant 0 : i32
        %dma_start3A_96 = arith.constant 0 : i32
        %dma_start3A_97 = tpu.memref_slice %arg15[%dma_start3A_95, %dma_start3A_96] : memref<160x128xf32, #tpu.memory_space<vmem>> -> memref<80x128xf32, #tpu.memory_space<vmem>>
        %dma_start3A_98 = arith.constant 0 : i32
        %dma_start3A_99 = arith.constant 0 : i32
        %dma_start3A_100 = tpu.memref_slice %arg21[%dma_start3A_98, %dma_start3A_99] : memref<5008x128xf32, #tpu.memory_space<vmem_shared>> -> memref<5008x128xf32, #tpu.memory_space<vmem_shared>>
        tpu.enqueue_indirect_dma source(%dma_start3A_97 : memref<80x128xf32, #tpu.memory_space<vmem>>) target(%dma_start3A_100 : memref<5008x128xf32, #tpu.memory_space<vmem_shared>>) offsets(%arg13 : memref<80xi32, #tpu.memory_space<vmem>>) semaphore(%run_scoped3A : memref<!tpu.dma_semaphore, #tpu.memory_space<semaphore_mem>>) {add = true}
        %dma_wait3A_101 = arith.constant 0 : i32
        %dma_wait3A_102 = arith.constant 0 : i32
        %dma_wait3A_103 = tpu.memref_slice %arg15[%dma_wait3A_101, %dma_wait3A_102] : memref<160x128xf32, #tpu.memory_space<vmem>> -> memref<80x128xf32, #tpu.memory_space<vmem>>
        %dma_wait3A_104 = arith.constant 0 : i32
        %dma_wait3A_105 = arith.constant 0 : i32
        %dma_wait3A_106 = tpu.memref_slice %arg21[%dma_wait3A_104, %dma_wait3A_105] : memref<5008x128xf32, #tpu.memory_space<vmem_shared>> -> memref<5008x128xf32, #tpu.memory_space<vmem_shared>>
        tpu.wait_indirect_dma semaphore(%run_scoped3A : memref<!tpu.dma_semaphore, #tpu.memory_space<semaphore_mem>>) src(%dma_wait3A_103 : memref<80x128xf32, #tpu.memory_space<vmem>>) dst(%dma_wait3A_106 : memref<5008x128xf32, #tpu.memory_space<vmem_shared>>)
        tpu.yield
      }) : () -> ()
      %add3A_83 = arith.constant 2 : i32
      %add3A_84 = arith.addi %add3A_60, %add3A_83 : i32
      %lt3A = arith.constant 250 : i32
      %lt3A_85 = arith.cmpi slt, %add3A_84, %lt3A : i32
      %convert_element_type3A = arith.extui %lt3A_85 : i1 to i32
      %cond3A = arith.constant 0 : i32
      %cond3A_86 = arith.cmpi ne, %convert_element_type3A, %cond3A : i32
      scf.if %cond3A_86 {
        %add3A_95 = arith.constant 2 : i32
        %add3A_96 = arith.addi %add3A_60, %add3A_95 : i32
        %mul3A_97 = arith.constant 20000 : i32
        %mul3A_98 = arith.muli %arg1, %mul3A_97 : i32
        %mul3A_99 = arith.constant 80 : i32
        %mul3A_100 = arith.muli %add3A_96, %mul3A_99 : i32
        %add3A_101 = arith.addi %mul3A_98, %mul3A_100 : i32
        "tpu.region"() ({
          %run_scoped3A = tpu.sem_alloc : memref<!tpu.dma_semaphore, #tpu.memory_space<semaphore_mem>>
          %dma_start3A_110 = tpu.memref_slice %arg4[%add3A_101] : memref<320000xi32, #tpu.memory_space<hbm>> -> memref<80xi32, #tpu.memory_space<hbm>>
          %dma_start3A_111 = tpu.memref_slice %arg4[%add3A_101] : memref<320000xi32, #tpu.memory_space<hbm>> -> memref<80xi32, #tpu.memory_space<hbm>>
          tpu.enqueue_dma source(%dma_start3A_111 : memref<80xi32, #tpu.memory_space<hbm>>) target(%arg7 : memref<80xi32, #tpu.memory_space<vmem>>) target_semaphore(%run_scoped3A : memref<!tpu.dma_semaphore, #tpu.memory_space<semaphore_mem>>)
          %dma_wait3A_112 = tpu.memref_slice %arg4[%add3A_101] : memref<320000xi32, #tpu.memory_space<hbm>> -> memref<80xi32, #tpu.memory_space<hbm>>
          %dma_wait3A_113 = tpu.memref_slice %arg4[%add3A_101] : memref<320000xi32, #tpu.memory_space<hbm>> -> memref<80xi32, #tpu.memory_space<hbm>>
          tpu.wait_dma2 semaphore(%run_scoped3A : memref<!tpu.dma_semaphore, #tpu.memory_space<semaphore_mem>>) src(%dma_wait3A_113 : memref<80xi32, #tpu.memory_space<hbm>>) dst(%arg7 : memref<80xi32, #tpu.memory_space<vmem>>)
          tpu.yield
        }) : () -> ()
        %scan3A_102 = arith.constant 0 : i32
        %scan3A_103 = arith.constant 5 : i32
        %scan3A_104 = arith.addi %scan3A_102, %scan3A_103 : i32
        %scan3A_105 = arith.constant 1 : i32
        scf.for %scan3A_110 = %scan3A_102 to %scan3A_104 step %scan3A_105  : i32 {
          %mul3A_111 = arith.constant 1 : i32
          %mul3A_112 = arith.muli %scan3A_110, %mul3A_111 : i32
          %add3A_113 = arith.constant 0 : i32
          %add3A_114 = arith.addi %add3A_113, %mul3A_112 : i32
          %mul3A_115 = arith.constant 16 : i32
          %mul3A_116 = arith.muli %add3A_114, %mul3A_115 : i32
          %get3A = arith.index_cast %mul3A_116 : i32 to index
          %get3A_117 = tpu.vector_load %arg7[%get3A] {strides = array<i32>} : memref<80xi32, #tpu.memory_space<vmem>>, vector<16xi32>,
          %and3A = arith.constant 16383 : i32
          %and3A_118 = vector.broadcast %and3A : i32 to vector<16xi32>
          %and3A_119 = arith.andi %get3A_117, %and3A_118 : vector<16xi32>
          %shift_right_logical3A = arith.constant 14 : i32
          %shift_right_logical3A_120 = vector.broadcast %shift_right_logical3A : i32 to vector<16xi32>
          %shift_right_logical3A_121 = arith.shrui %get3A_117, %shift_right_logical3A_120 : vector<16xi32>
          %mul3A_122 = arith.constant 16 : i32
          %mul3A_123 = arith.muli %add3A_114, %mul3A_122 : i32
          %swap3A = arith.index_cast %mul3A_123 : i32 to index
          %swap3A_124 = tpu.vector_load %arg9[%swap3A] {strides = array<i32>} : memref<160xi32, #tpu.memory_space<vmem>>, vector<16xi32>,
          tpu.vector_store %arg9[%swap3A], %shift_right_logical3A_121 {strides = array<i32>} : memref<160xi32, #tpu.memory_space<vmem>>, vector<16xi32>,
          %add3A_125 = arith.constant 10000 : i32
          %add3A_126 = vector.broadcast %add3A_125 : i32 to vector<16xi32>
          %add3A_127 = arith.addi %and3A_119, %add3A_126 : vector<16xi32>
          %mul3A_128 = arith.constant 16 : i32
          %mul3A_129 = arith.muli %add3A_114, %mul3A_128 : i32
          %add3A_130 = arith.constant 80 : i32
          %add3A_131 = arith.addi %add3A_130, %mul3A_129 : i32
          %swap3A_132 = arith.index_cast %add3A_131 : i32 to index
          %swap3A_133 = tpu.vector_load %arg9[%swap3A_132] {strides = array<i32>} : memref<160xi32, #tpu.memory_space<vmem>>, vector<16xi32>,
          tpu.vector_store %arg9[%swap3A_132], %add3A_127 {strides = array<i32>} : memref<160xi32, #tpu.memory_space<vmem>>, vector<16xi32>,
          %mul3A_134 = arith.constant 16 : i32
          %mul3A_135 = arith.muli %add3A_114, %mul3A_134 : i32
          %swap3A_136 = arith.index_cast %mul3A_135 : i32 to index
          %swap3A_137 = tpu.vector_load %arg11[%swap3A_136] {strides = array<i32>} : memref<80xi32, #tpu.memory_space<vmem>>, vector<16xi32>,
          tpu.vector_store %arg11[%swap3A_136], %and3A_119 {strides = array<i32>} : memref<80xi32, #tpu.memory_space<vmem>>, vector<16xi32>,
          %sub3A_138 = vector.broadcast %mul3A_2 : i32 to vector<16xi32>
          %sub3A_139 = arith.subi %and3A_119, %sub3A_138 : vector<16xi32>
          %ge3A = arith.constant 0 : i32
          %ge3A_140 = vector.broadcast %ge3A : i32 to vector<16xi32>
          %ge3A_141 = arith.cmpi sge, %sub3A_139, %ge3A_140 : vector<16xi32>
          %lt3A_142 = arith.constant 5000 : i32
          %lt3A_143 = vector.broadcast %lt3A_142 : i32 to vector<16xi32>
          %lt3A_144 = arith.cmpi slt, %sub3A_139, %lt3A_143 : vector<16xi32>
          %and3A_145 = arith.andi %ge3A_141, %lt3A_144 : vector<16xi1>
          %jit3A = arith.constant 5000 : i32
          %broadcast_in_dim3A = vector.broadcast %jit3A : i32 to vector<16xi32>
          %select_n3A = arith.select %and3A_145, %sub3A_139, %broadcast_in_dim3A : vector<16xi1>, vector<16xi32>
          %mul3A_146 = arith.constant 16 : i32
          %mul3A_147 = arith.muli %add3A_114, %mul3A_146 : i32
          %swap3A_148 = arith.index_cast %mul3A_147 : i32 to index
          %swap3A_149 = tpu.vector_load %arg13[%swap3A_148] {strides = array<i32>} : memref<80xi32, #tpu.memory_space<vmem>>, vector<16xi32>,
          tpu.vector_store %arg13[%swap3A_148], %select_n3A {strides = array<i32>} : memref<80xi32, #tpu.memory_space<vmem>>, vector<16xi32>,
          %shift_right_logical3A_150 = arith.constant 14 : i32
          %shift_right_logical3A_151 = vector.broadcast %shift_right_logical3A_150 : i32 to vector<16xi32>
          %shift_right_logical3A_152 = arith.shrui %get3A_117, %shift_right_logical3A_151 : vector<16xi32>
          %gather3A = tpu.vector_load_idx %arg19[%shift_right_logical3A_152] : memref<10000xf32, #tpu.memory_space<vmem>>[vector<16xi32>], vector<16xf32>,
          %mul3A_153 = arith.constant 16 : i32
          %mul3A_154 = arith.muli %add3A_114, %mul3A_153 : i32
          %swap3A_155 = arith.index_cast %mul3A_154 : i32 to index
          %swap3A_156 = tpu.vector_load %arg17[%swap3A_155] {strides = array<i32>} : memref<80xf32, #tpu.memory_space<vmem>>, vector<16xf32>,
          tpu.vector_store %arg17[%swap3A_155], %gather3A {strides = array<i32>} : memref<80xf32, #tpu.memory_space<vmem>>, vector<16xf32>,
        }
        %scan3A_106 = arith.constant 5 : i32
        %dma_start3A_107 = arith.constant 0 : i32
        %dma_start3A_108 = arith.constant 0 : i32
        %dma_start3A_109 = tpu.memref_slice %arg2[%dma_start3A_107, %dma_start3A_108] : memref<20000x128xf32, #tpu.memory_space<hbm>> -> memref<20000x128xf32, #tpu.memory_space<hbm>>
        tpu.enqueue_indirect_dma source(%dma_start3A_109 : memref<20000x128xf32, #tpu.memory_space<hbm>>) target(%arg15 : memref<160x128xf32, #tpu.memory_space<vmem>>) offsets(%arg9 : memref<160xi32, #tpu.memory_space<vmem>>) semaphore(%arg22 : memref<!tpu.dma_semaphore, #tpu.memory_space<semaphore_mem>>)
      } else {
      }
      %dma_wait3A_87 = arith.constant 0 : i32
      %dma_wait3A_88 = arith.constant 0 : i32
      %dma_wait3A_89 = tpu.memref_slice %arg2[%dma_wait3A_87, %dma_wait3A_88] : memref<20000x128xf32, #tpu.memory_space<hbm>> -> memref<20000x128xf32, #tpu.memory_space<hbm>>
      tpu.wait_indirect_dma semaphore(%arg23 : memref<!tpu.dma_semaphore, #tpu.memory_space<semaphore_mem>>) src(%dma_wait3A_89 : memref<20000x128xf32, #tpu.memory_space<hbm>>) dst(%arg16 : memref<160x128xf32, #tpu.memory_space<vmem>>)
      %scan3A_90 = arith.constant 0 : i32
      %scan3A_91 = arith.constant 80 : i32
      %scan3A_92 = arith.addi %scan3A_90, %scan3A_91 : i32
      %scan3A_93 = arith.constant 1 : i32
      scf.for %scan3A_95 = %scan3A_90 to %scan3A_92 step %scan3A_93  : i32 {
        %mul3A_96 = arith.constant 1 : i32
        %mul3A_97 = arith.muli %scan3A_95, %mul3A_96 : i32
        %add3A_98 = arith.constant 0 : i32
        %add3A_99 = arith.addi %add3A_98, %mul3A_97 : i32
        %broadcast_in_dim3A = vector.broadcast %add3A_99 : i32 to vector<16xi32>
        %gather3A = tpu.vector_load_idx %arg12[%broadcast_in_dim3A] : memref<80xi32, #tpu.memory_space<vmem>>[vector<16xi32>], vector<16xi32>,
        %gather3A_100 = tpu.vector_load_idx %arg18[%broadcast_in_dim3A] : memref<80xf32, #tpu.memory_space<vmem>>[vector<16xi32>], vector<16xf32>,
        %get3A = arith.index_cast %add3A_99 : i32 to index
        %get3A_101 = arith.constant 0 : index
        %get3A_102 = tpu.vector_load %arg16[%get3A, %get3A_101] {strides = array<i32>} : memref<160x128xf32, #tpu.memory_space<vmem>>, vector<16xf32>,
        %add3A_103 = arith.constant 80 : i32
        %add3A_104 = arith.addi %add3A_103, %add3A_99 : i32
        %get3A_105 = arith.index_cast %add3A_104 : i32 to index
        %get3A_106 = arith.constant 0 : index
        %get3A_107 = tpu.vector_load %arg16[%get3A_105, %get3A_106] {strides = array<i32>} : memref<160x128xf32, #tpu.memory_space<vmem>>, vector<16xf32>,
        %add3A_108 = arith.addf %get3A_102, %get3A_107 : vector<16xf32>
        %max3A = arith.constant 0.000000e+00 : f32
        %max3A_109 = vector.broadcast %max3A : f32 to vector<16xf32>
        %max3A_110 = arith.maximumf %add3A_108, %max3A_109 : vector<16xf32>
        %mul3A_111 = arith.mulf %max3A_110, %gather3A_100 : vector<16xf32>
        %swap3A = arith.index_cast %add3A_99 : i32 to index
        %swap3A_112 = arith.constant 0 : index
        %swap3A_113 = tpu.vector_load %arg16[%swap3A, %swap3A_112] {strides = array<i32>} : memref<160x128xf32, #tpu.memory_space<vmem>>, vector<16xf32>,
        tpu.vector_store %arg16[%swap3A, %swap3A_112], %mul3A_111 {strides = array<i32>} : memref<160x128xf32, #tpu.memory_space<vmem>>, vector<16xf32>,
        %get3A_114 = arith.index_cast %add3A_99 : i32 to index
        %get3A_115 = arith.constant 16 : index
        %get3A_116 = tpu.vector_load %arg16[%get3A_114, %get3A_115] {strides = array<i32>} : memref<160x128xf32, #tpu.memory_space<vmem>>, vector<16xf32>,
        %add3A_117 = arith.constant 80 : i32
        %add3A_118 = arith.addi %add3A_117, %add3A_99 : i32
        %get3A_119 = arith.index_cast %add3A_118 : i32 to index
        %get3A_120 = arith.constant 16 : index
        %get3A_121 = tpu.vector_load %arg16[%get3A_119, %get3A_120] {strides = array<i32>} : memref<160x128xf32, #tpu.memory_space<vmem>>, vector<16xf32>,
        %add3A_122 = arith.addf %get3A_116, %get3A_121 : vector<16xf32>
        %max3A_123 = arith.constant 0.000000e+00 : f32
        %max3A_124 = vector.broadcast %max3A_123 : f32 to vector<16xf32>
        %max3A_125 = arith.maximumf %add3A_122, %max3A_124 : vector<16xf32>
        %mul3A_126 = arith.mulf %max3A_125, %gather3A_100 : vector<16xf32>
        %swap3A_127 = arith.index_cast %add3A_99 : i32 to index
        %swap3A_128 = arith.constant 16 : index
        %swap3A_129 = tpu.vector_load %arg16[%swap3A_127, %swap3A_128] {strides = array<i32>} : memref<160x128xf32, #tpu.memory_space<vmem>>, vector<16xf32>,
        tpu.vector_store %arg16[%swap3A_127, %swap3A_128], %mul3A_126 {strides = array<i32>} : memref<160x128xf32, #tpu.memory_space<vmem>>, vector<16xf32>,
        %get3A_130 = arith.index_cast %add3A_99 : i32 to index
        %get3A_131 = arith.constant 32 : index
        %get3A_132 = tpu.vector_load %arg16[%get3A_130, %get3A_131] {strides = array<i32>} : memref<160x128xf32, #tpu.memory_space<vmem>>, vector<16xf32>,
        %add3A_133 = arith.constant 80 : i32
        %add3A_134 = arith.addi %add3A_133, %add3A_99 : i32
        %get3A_135 = arith.index_cast %add3A_134 : i32 to index
        %get3A_136 = arith.constant 32 : index
        %get3A_137 = tpu.vector_load %arg16[%get3A_135, %get3A_136] {strides = array<i32>} : memref<160x128xf32, #tpu.memory_space<vmem>>, vector<16xf32>,
        %add3A_138 = arith.addf %get3A_132, %get3A_137 : vector<16xf32>
        %max3A_139 = arith.constant 0.000000e+00 : f32
        %max3A_140 = vector.broadcast %max3A_139 : f32 to vector<16xf32>
        %max3A_141 = arith.maximumf %add3A_138, %max3A_140 : vector<16xf32>
        %mul3A_142 = arith.mulf %max3A_141, %gather3A_100 : vector<16xf32>
        %swap3A_143 = arith.index_cast %add3A_99 : i32 to index
        %swap3A_144 = arith.constant 32 : index
        %swap3A_145 = tpu.vector_load %arg16[%swap3A_143, %swap3A_144] {strides = array<i32>} : memref<160x128xf32, #tpu.memory_space<vmem>>, vector<16xf32>,
        tpu.vector_store %arg16[%swap3A_143, %swap3A_144], %mul3A_142 {strides = array<i32>} : memref<160x128xf32, #tpu.memory_space<vmem>>, vector<16xf32>,
        %get3A_146 = arith.index_cast %add3A_99 : i32 to index
        %get3A_147 = arith.constant 48 : index
        %get3A_148 = tpu.vector_load %arg16[%get3A_146, %get3A_147] {strides = array<i32>} : memref<160x128xf32, #tpu.memory_space<vmem>>, vector<16xf32>,
        %add3A_149 = arith.constant 80 : i32
        %add3A_150 = arith.addi %add3A_149, %add3A_99 : i32
        %get3A_151 = arith.index_cast %add3A_150 : i32 to index
        %get3A_152 = arith.constant 48 : index
        %get3A_153 = tpu.vector_load %arg16[%get3A_151, %get3A_152] {strides = array<i32>} : memref<160x128xf32, #tpu.memory_space<vmem>>, vector<16xf32>,
        %add3A_154 = arith.addf %get3A_148, %get3A_153 : vector<16xf32>
        %max3A_155 = arith.constant 0.000000e+00 : f32
        %max3A_156 = vector.broadcast %max3A_155 : f32 to vector<16xf32>
        %max3A_157 = arith.maximumf %add3A_154, %max3A_156 : vector<16xf32>
        %mul3A_158 = arith.mulf %max3A_157, %gather3A_100 : vector<16xf32>
        %swap3A_159 = arith.index_cast %add3A_99 : i32 to index
        %swap3A_160 = arith.constant 48 : index
        %swap3A_161 = tpu.vector_load %arg16[%swap3A_159, %swap3A_160] {strides = array<i32>} : memref<160x128xf32, #tpu.memory_space<vmem>>, vector<16xf32>,
        tpu.vector_store %arg16[%swap3A_159, %swap3A_160], %mul3A_158 {strides = array<i32>} : memref<160x128xf32, #tpu.memory_space<vmem>>, vector<16xf32>,
        %get3A_162 = arith.index_cast %add3A_99 : i32 to index
        %get3A_163 = arith.constant 64 : index
        %get3A_164 = tpu.vector_load %arg16[%get3A_162, %get3A_163] {strides = array<i32>} : memref<160x128xf32, #tpu.memory_space<vmem>>, vector<16xf32>,
        %add3A_165 = arith.constant 80 : i32
        %add3A_166 = arith.addi %add3A_165, %add3A_99 : i32
        %get3A_167 = arith.index_cast %add3A_166 : i32 to index
        %get3A_168 = arith.constant 64 : index
        %get3A_169 = tpu.vector_load %arg16[%get3A_167, %get3A_168] {strides = array<i32>} : memref<160x128xf32, #tpu.memory_space<vmem>>, vector<16xf32>,
        %add3A_170 = arith.addf %get3A_164, %get3A_169 : vector<16xf32>
        %max3A_171 = arith.constant 0.000000e+00 : f32
        %max3A_172 = vector.broadcast %max3A_171 : f32 to vector<16xf32>
        %max3A_173 = arith.maximumf %add3A_170, %max3A_172 : vector<16xf32>
        %mul3A_174 = arith.mulf %max3A_173, %gather3A_100 : vector<16xf32>
        %swap3A_175 = arith.index_cast %add3A_99 : i32 to index
        %swap3A_176 = arith.constant 64 : index
        %swap3A_177 = tpu.vector_load %arg16[%swap3A_175, %swap3A_176] {strides = array<i32>} : memref<160x128xf32, #tpu.memory_space<vmem>>, vector<16xf32>,
        tpu.vector_store %arg16[%swap3A_175, %swap3A_176], %mul3A_174 {strides = array<i32>} : memref<160x128xf32, #tpu.memory_space<vmem>>, vector<16xf32>,
        %get3A_178 = arith.index_cast %add3A_99 : i32 to index
        %get3A_179 = arith.constant 80 : index
        %get3A_180 = tpu.vector_load %arg16[%get3A_178, %get3A_179] {strides = array<i32>} : memref<160x128xf32, #tpu.memory_space<vmem>>, vector<16xf32>,
        %add3A_181 = arith.constant 80 : i32
        %add3A_182 = arith.addi %add3A_181, %add3A_99 : i32
        %get3A_183 = arith.index_cast %add3A_182 : i32 to index
        %get3A_184 = arith.constant 80 : index
        %get3A_185 = tpu.vector_load %arg16[%get3A_183, %get3A_184] {strides = array<i32>} : memref<160x128xf32, #tpu.memory_space<vmem>>, vector<16xf32>,
        %add3A_186 = arith.addf %get3A_180, %get3A_185 : vector<16xf32>
        %max3A_187 = arith.constant 0.000000e+00 : f32
        %max3A_188 = vector.broadcast %max3A_187 : f32 to vector<16xf32>
        %max3A_189 = arith.maximumf %add3A_186, %max3A_188 : vector<16xf32>
        %mul3A_190 = arith.mulf %max3A_189, %gather3A_100 : vector<16xf32>
        %swap3A_191 = arith.index_cast %add3A_99 : i32 to index
        %swap3A_192 = arith.constant 80 : index
        %swap3A_193 = tpu.vector_load %arg16[%swap3A_191, %swap3A_192] {strides = array<i32>} : memref<160x128xf32, #tpu.memory_space<vmem>>, vector<16xf32>,
        tpu.vector_store %arg16[%swap3A_191, %swap3A_192], %mul3A_190 {strides = array<i32>} : memref<160x128xf32, #tpu.memory_space<vmem>>, vector<16xf32>,
        %get3A_194 = arith.index_cast %add3A_99 : i32 to index
        %get3A_195 = arith.constant 96 : index
        %get3A_196 = tpu.vector_load %arg16[%get3A_194, %get3A_195] {strides = array<i32>} : memref<160x128xf32, #tpu.memory_space<vmem>>, vector<16xf32>,
        %add3A_197 = arith.constant 80 : i32
        %add3A_198 = arith.addi %add3A_197, %add3A_99 : i32
        %get3A_199 = arith.index_cast %add3A_198 : i32 to index
        %get3A_200 = arith.constant 96 : index
        %get3A_201 = tpu.vector_load %arg16[%get3A_199, %get3A_200] {strides = array<i32>} : memref<160x128xf32, #tpu.memory_space<vmem>>, vector<16xf32>,
        %add3A_202 = arith.addf %get3A_196, %get3A_201 : vector<16xf32>
        %max3A_203 = arith.constant 0.000000e+00 : f32
        %max3A_204 = vector.broadcast %max3A_203 : f32 to vector<16xf32>
        %max3A_205 = arith.maximumf %add3A_202, %max3A_204 : vector<16xf32>
        %mul3A_206 = arith.mulf %max3A_205, %gather3A_100 : vector<16xf32>
        %swap3A_207 = arith.index_cast %add3A_99 : i32 to index
        %swap3A_208 = arith.constant 96 : index
        %swap3A_209 = tpu.vector_load %arg16[%swap3A_207, %swap3A_208] {strides = array<i32>} : memref<160x128xf32, #tpu.memory_space<vmem>>, vector<16xf32>,
        tpu.vector_store %arg16[%swap3A_207, %swap3A_208], %mul3A_206 {strides = array<i32>} : memref<160x128xf32, #tpu.memory_space<vmem>>, vector<16xf32>,
        %get3A_210 = arith.index_cast %add3A_99 : i32 to index
        %get3A_211 = arith.constant 112 : index
        %get3A_212 = tpu.vector_load %arg16[%get3A_210, %get3A_211] {strides = array<i32>} : memref<160x128xf32, #tpu.memory_space<vmem>>, vector<16xf32>,
        %add3A_213 = arith.constant 80 : i32
        %add3A_214 = arith.addi %add3A_213, %add3A_99 : i32
        %get3A_215 = arith.index_cast %add3A_214 : i32 to index
        %get3A_216 = arith.constant 112 : index
        %get3A_217 = tpu.vector_load %arg16[%get3A_215, %get3A_216] {strides = array<i32>} : memref<160x128xf32, #tpu.memory_space<vmem>>, vector<16xf32>,
        %add3A_218 = arith.addf %get3A_212, %get3A_217 : vector<16xf32>
        %max3A_219 = arith.constant 0.000000e+00 : f32
        %max3A_220 = vector.broadcast %max3A_219 : f32 to vector<16xf32>
        %max3A_221 = arith.maximumf %add3A_218, %max3A_220 : vector<16xf32>
        %mul3A_222 = arith.mulf %max3A_221, %gather3A_100 : vector<16xf32>
        %swap3A_223 = arith.index_cast %add3A_99 : i32 to index
        %swap3A_224 = arith.constant 112 : index
        %swap3A_225 = tpu.vector_load %arg16[%swap3A_223, %swap3A_224] {strides = array<i32>} : memref<160x128xf32, #tpu.memory_space<vmem>>, vector<16xf32>,
        tpu.vector_store %arg16[%swap3A_223, %swap3A_224], %mul3A_222 {strides = array<i32>} : memref<160x128xf32, #tpu.memory_space<vmem>>, vector<16xf32>,
        %ge3A = vector.broadcast %mul3A_2 : i32 to vector<16xi32>
        %ge3A_226 = arith.cmpi sge, %gather3A, %ge3A : vector<16xi32>
        %add3A_227 = arith.constant 5000 : i32
        %add3A_228 = arith.addi %mul3A_2, %add3A_227 : i32
        %lt3A_229 = vector.broadcast %add3A_228 : i32 to vector<16xi32>
        %lt3A_230 = arith.cmpi slt, %gather3A, %lt3A_229 : vector<16xi32>
        %and3A = arith.andi %ge3A_226, %lt3A_230 : vector<16xi1>
        %and3A_231 = arith.andi %eq3A_1, %and3A : vector<16xi1>
        %shift_right_logical3A = arith.constant 7 : i32
        %shift_right_logical3A_232 = vector.broadcast %shift_right_logical3A : i32 to vector<16xi32>
        %shift_right_logical3A_233 = arith.shrui %gather3A, %shift_right_logical3A_232 : vector<16xi32>
        %and3A_234 = arith.constant 127 : i32
        %and3A_235 = vector.broadcast %and3A_234 : i32 to vector<16xi32>
        %and3A_236 = arith.andi %gather3A, %and3A_235 : vector<16xi32>
        tpu.vector_store_idx %arg20[%shift_right_logical3A_233, %and3A_236], %gather3A_100 masked %and3A_231 {add = true} : memref<80x128xf32, #tpu.memory_space<vmem>>[vector<16xi32>, vector<16xi32>], vector<16xf32>, vector<16xi1>
      }
      %scan3A_94 = arith.constant 80 : i32
      "tpu.region"() ({
        %run_scoped3A = tpu.sem_alloc : memref<!tpu.dma_semaphore, #tpu.memory_space<semaphore_mem>>
        %dma_start3A_95 = arith.constant 0 : i32
        %dma_start3A_96 = arith.constant 0 : i32
        %dma_start3A_97 = tpu.memref_slice %arg16[%dma_start3A_95, %dma_start3A_96] : memref<160x128xf32, #tpu.memory_space<vmem>> -> memref<80x128xf32, #tpu.memory_space<vmem>>
        %dma_start3A_98 = arith.constant 0 : i32
        %dma_start3A_99 = arith.constant 0 : i32
        %dma_start3A_100 = tpu.memref_slice %arg21[%dma_start3A_98, %dma_start3A_99] : memref<5008x128xf32, #tpu.memory_space<vmem_shared>> -> memref<5008x128xf32, #tpu.memory_space<vmem_shared>>
        tpu.enqueue_indirect_dma source(%dma_start3A_97 : memref<80x128xf32, #tpu.memory_space<vmem>>) target(%dma_start3A_100 : memref<5008x128xf32, #tpu.memory_space<vmem_shared>>) offsets(%arg14 : memref<80xi32, #tpu.memory_space<vmem>>) semaphore(%run_scoped3A : memref<!tpu.dma_semaphore, #tpu.memory_space<semaphore_mem>>) {add = true}
        %dma_wait3A_101 = arith.constant 0 : i32
        %dma_wait3A_102 = arith.constant 0 : i32
        %dma_wait3A_103 = tpu.memref_slice %arg16[%dma_wait3A_101, %dma_wait3A_102] : memref<160x128xf32, #tpu.memory_space<vmem>> -> memref<80x128xf32, #tpu.memory_space<vmem>>
        %dma_wait3A_104 = arith.constant 0 : i32
        %dma_wait3A_105 = arith.constant 0 : i32
        %dma_wait3A_106 = tpu.memref_slice %arg21[%dma_wait3A_104, %dma_wait3A_105] : memref<5008x128xf32, #tpu.memory_space<vmem_shared>> -> memref<5008x128xf32, #tpu.memory_space<vmem_shared>>
        tpu.wait_indirect_dma semaphore(%run_scoped3A : memref<!tpu.dma_semaphore, #tpu.memory_space<semaphore_mem>>) src(%dma_wait3A_103 : memref<80x128xf32, #tpu.memory_space<vmem>>) dst(%dma_wait3A_106 : memref<5008x128xf32, #tpu.memory_space<vmem_shared>>)
        tpu.yield
      }) : () -> ()
    }
    %scan3A_36 = arith.constant 125 : i32
    %barrier3A_37 = arith.constant 0 : index
    tpu.barrier barrier_id(%barrier3A_37)
    %sub3A_38 = arith.constant 313 : i32
    %sub3A_39 = arith.subi %sub3A_38, %arg1 : i32
    %sub3A_40 = arith.constant 16 : i32
    %sub3A_41 = arith.constant 1 : i32
    %sub3A_42 = arith.subi %sub3A_40, %sub3A_41 : i32
    %add3A_43 = arith.addi %sub3A_39, %sub3A_42 : i32
    %div3A_44 = arith.constant 16 : i32
    %div3A_45 = arith.divsi %add3A_43, %div3A_44 : i32
    %while3A_46 = arith.constant 16 : i32
    %while3A_47 = arith.constant 0 : i32
    %while3A_48 = arith.subi %div3A_45, %while3A_47 : i32
    %while3A_49 = arith.addi %while3A_47, %while3A_48 : i32
    %while3A_50 = arith.constant 1 : i32
    %while3A_51 = arith.divsi %while3A_48, %while3A_50 : i32
    %while3A_52 = arith.muli %while3A_51, %while3A_50 : i32
    %while3A_53 = arith.addi %while3A_47, %while3A_52 : i32
    %while3A_54 = arith.constant 1 : i32
    scf.for %while3A_56 = %while3A_47 to %while3A_53 step %while3A_54  : i32 {
      %mul3A_57 = arith.muli %while3A_56, %while3A_46 : i32
      %add3A_58 = arith.addi %arg1, %mul3A_57 : i32
      %mul3A_59 = arith.constant 16 : i32
      %mul3A_60 = arith.muli %add3A_58, %mul3A_59 : i32
      %mul3A_61 = arith.constant 16 : i32
      %mul3A_62 = arith.muli %add3A_58, %mul3A_61 : i32
      "tpu.region"() ({
        %run_scoped3A = tpu.sem_alloc : memref<!tpu.dma_semaphore, #tpu.memory_space<semaphore_mem>>
        %dma_start3A_63 = arith.constant 0 : i32
        %dma_start3A_64 = tpu.memref_slice %arg5[%arg0, %mul3A_62, %dma_start3A_63] : memref<2x5008x128xf32, #tpu.memory_space<hbm>> -> memref<1x16x128xf32, #tpu.memory_space<hbm>>
        %dma_start3A_65 = tpu.memref_squeeze %dma_start3A_64 : memref<1x16x128xf32, #tpu.memory_space<hbm>> -> memref<16x128xf32, #tpu.memory_space<hbm>>
        %dma_start3A_66 = arith.constant 0 : i32
        %dma_start3A_67 = tpu.memref_slice %arg21[%mul3A_60, %dma_start3A_66] : memref<5008x128xf32, #tpu.memory_space<vmem_shared>> -> memref<16x128xf32, #tpu.memory_space<vmem_shared>>
        tpu.enqueue_dma source(%dma_start3A_67 : memref<16x128xf32, #tpu.memory_space<vmem_shared>>) target(%dma_start3A_65 : memref<16x128xf32, #tpu.memory_space<hbm>>) target_semaphore(%run_scoped3A : memref<!tpu.dma_semaphore, #tpu.memory_space<semaphore_mem>>)
        %dma_wait3A = arith.constant 0 : i32
        %dma_wait3A_68 = tpu.memref_slice %arg5[%arg0, %mul3A_62, %dma_wait3A] : memref<2x5008x128xf32, #tpu.memory_space<hbm>> -> memref<1x16x128xf32, #tpu.memory_space<hbm>>
        %dma_wait3A_69 = tpu.memref_squeeze %dma_wait3A_68 : memref<1x16x128xf32, #tpu.memory_space<hbm>> -> memref<16x128xf32, #tpu.memory_space<hbm>>
        %dma_wait3A_70 = arith.constant 0 : i32
        %dma_wait3A_71 = tpu.memref_slice %arg21[%mul3A_60, %dma_wait3A_70] : memref<5008x128xf32, #tpu.memory_space<vmem_shared>> -> memref<16x128xf32, #tpu.memory_space<vmem_shared>>
        tpu.wait_dma2 semaphore(%run_scoped3A : memref<!tpu.dma_semaphore, #tpu.memory_space<semaphore_mem>>) src(%dma_wait3A_71 : memref<16x128xf32, #tpu.memory_space<vmem_shared>>) dst(%dma_wait3A_69 : memref<16x128xf32, #tpu.memory_space<hbm>>)
        tpu.yield
      }) : () -> ()
    }
    %while3A_55 = arith.constant 1 : i32
    scf.for %while3A_56 = %while3A_53 to %while3A_49 step %while3A_55  : i32 {
      %mul3A_57 = arith.muli %while3A_56, %while3A_46 : i32
      %add3A_58 = arith.addi %arg1, %mul3A_57 : i32
      %mul3A_59 = arith.constant 16 : i32
      %mul3A_60 = arith.muli %add3A_58, %mul3A_59 : i32
      %mul3A_61 = arith.constant 16 : i32
      %mul3A_62 = arith.muli %add3A_58, %mul3A_61 : i32
      "tpu.region"() ({
        %run_scoped3A = tpu.sem_alloc : memref<!tpu.dma_semaphore, #tpu.memory_space<semaphore_mem>>
        %dma_start3A_63 = arith.constant 0 : i32
        %dma_start3A_64 = tpu.memref_slice %arg5[%arg0, %mul3A_62, %dma_start3A_63] : memref<2x5008x128xf32, #tpu.memory_space<hbm>> -> memref<1x16x128xf32, #tpu.memory_space<hbm>>
        %dma_start3A_65 = tpu.memref_squeeze %dma_start3A_64 : memref<1x16x128xf32, #tpu.memory_space<hbm>> -> memref<16x128xf32, #tpu.memory_space<hbm>>
        %dma_start3A_66 = arith.constant 0 : i32
        %dma_start3A_67 = tpu.memref_slice %arg21[%mul3A_60, %dma_start3A_66] : memref<5008x128xf32, #tpu.memory_space<vmem_shared>> -> memref<16x128xf32, #tpu.memory_space<vmem_shared>>
        tpu.enqueue_dma source(%dma_start3A_67 : memref<16x128xf32, #tpu.memory_space<vmem_shared>>) target(%dma_start3A_65 : memref<16x128xf32, #tpu.memory_space<hbm>>) target_semaphore(%run_scoped3A : memref<!tpu.dma_semaphore, #tpu.memory_space<semaphore_mem>>)
        %dma_wait3A = arith.constant 0 : i32
        %dma_wait3A_68 = tpu.memref_slice %arg5[%arg0, %mul3A_62, %dma_wait3A] : memref<2x5008x128xf32, #tpu.memory_space<hbm>> -> memref<1x16x128xf32, #tpu.memory_space<hbm>>
        %dma_wait3A_69 = tpu.memref_squeeze %dma_wait3A_68 : memref<1x16x128xf32, #tpu.memory_space<hbm>> -> memref<16x128xf32, #tpu.memory_space<hbm>>
        %dma_wait3A_70 = arith.constant 0 : i32
        %dma_wait3A_71 = tpu.memref_slice %arg21[%mul3A_60, %dma_wait3A_70] : memref<5008x128xf32, #tpu.memory_space<vmem_shared>> -> memref<16x128xf32, #tpu.memory_space<vmem_shared>>
        tpu.wait_dma2 semaphore(%run_scoped3A : memref<!tpu.dma_semaphore, #tpu.memory_space<semaphore_mem>>) src(%dma_wait3A_71 : memref<16x128xf32, #tpu.memory_space<vmem_shared>>) dst(%dma_wait3A_69 : memref<16x128xf32, #tpu.memory_space<hbm>>)
        tpu.yield
      }) : () -> ()
    }
    "tpu.region"() ({
      %run_scoped3A = tpu.sem_alloc : memref<!tpu.dma_semaphore, #tpu.memory_space<semaphore_mem>>
      %dma_start3A_56 = arith.constant 0 : i32
      %dma_start3A_57 = arith.constant 0 : i32
      %dma_start3A_58 = tpu.memref_slice %arg6[%arg0, %arg1, %dma_start3A_56, %dma_start3A_57] : memref<2x16x80x128xf32, #tpu.memory_space<hbm>> -> memref<1x1x80x128xf32, #tpu.memory_space<hbm>>
      %dma_start3A_59 = tpu.memref_squeeze %dma_start3A_58 : memref<1x1x80x128xf32, #tpu.memory_space<hbm>> -> memref<80x128xf32, #tpu.memory_space<hbm>>
      %dma_start3A_60 = arith.constant 0 : i32
      %dma_start3A_61 = arith.constant 0 : i32
      %dma_start3A_62 = tpu.memref_slice %arg6[%arg0, %arg1, %dma_start3A_60, %dma_start3A_61] : memref<2x16x80x128xf32, #tpu.memory_space<hbm>> -> memref<1x1x80x128xf32, #tpu.memory_space<hbm>>
      %dma_start3A_63 = tpu.memref_squeeze %dma_start3A_62 : memref<1x1x80x128xf32, #tpu.memory_space<hbm>> -> memref<80x128xf32, #tpu.memory_space<hbm>>
      tpu.enqueue_dma source(%arg20 : memref<80x128xf32, #tpu.memory_space<vmem>>) target(%dma_start3A_63 : memref<80x128xf32, #tpu.memory_space<hbm>>) target_semaphore(%run_scoped3A : memref<!tpu.dma_semaphore, #tpu.memory_space<semaphore_mem>>)
      %dma_wait3A = arith.constant 0 : i32
      %dma_wait3A_64 = arith.constant 0 : i32
      %dma_wait3A_65 = tpu.memref_slice %arg6[%arg0, %arg1, %dma_wait3A, %dma_wait3A_64] : memref<2x16x80x128xf32, #tpu.memory_space<hbm>> -> memref<1x1x80x128xf32, #tpu.memory_space<hbm>>
      %dma_wait3A_66 = tpu.memref_squeeze %dma_wait3A_65 : memref<1x1x80x128xf32, #tpu.memory_space<hbm>> -> memref<80x128xf32, #tpu.memory_space<hbm>>
      %dma_wait3A_67 = arith.constant 0 : i32
      %dma_wait3A_68 = arith.constant 0 : i32
      %dma_wait3A_69 = tpu.memref_slice %arg6[%arg0, %arg1, %dma_wait3A_67, %dma_wait3A_68] : memref<2x16x80x128xf32, #tpu.memory_space<hbm>> -> memref<1x1x80x128xf32, #tpu.memory_space<hbm>>
      %dma_wait3A_70 = tpu.memref_squeeze %dma_wait3A_69 : memref<1x1x80x128xf32, #tpu.memory_space<hbm>> -> memref<80x128xf32, #tpu.memory_space<hbm>>
      tpu.wait_dma2 semaphore(%run_scoped3A : memref<!tpu.dma_semaphore, #tpu.memory_space<semaphore_mem>>) src(%arg20 : memref<80x128xf32, #tpu.memory_space<vmem>>) dst(%dma_wait3A_70 : memref<80x128xf32, #tpu.memory_space<hbm>>)
      tpu.yield
    }) : () -> ()
    return
  }
}

module attributes {stable_mosaic.version = 14 : i64} {
  func.func @_prep_body(%arg0: memref<10000x128xf32, #tpu.memory_space<vmem>>, %arg1: memref<128x256xf32, #tpu.memory_space<vmem>>, %arg2: memref<128xf32, #tpu.memory_space<vmem>>, %arg3: memref<128x8xf32, #tpu.memory_space<vmem>>, %arg4: memref<128x8xf32, #tpu.memory_space<vmem>>, %arg5: memref<2500x128xi32, #tpu.memory_space<vmem>>, %arg6: memref<2500x128xi32, #tpu.memory_space<vmem>>, %arg7: memref<20000x128xf32, #tpu.memory_space<vmem>>, %arg8: memref<10000x1xf32, #tpu.memory_space<vmem>>, %arg9: memref<10000x1xf32, #tpu.memory_space<vmem>>, %arg10: memref<2500x128xi32, #tpu.memory_space<vmem>>) attributes {dimension_semantics = [], scalar_prefetch = 0 : i64, scratch_operands = 0 : i64, tpu.core_type = #tpu.core_type<tc>} {
    %get3A = arith.constant 0 : index
    %get3A_0 = arith.constant 0 : index
    %get3A_1 = vector.load %arg0[%get3A, %get3A_0] : memref<10000x128xf32, #tpu.memory_space<vmem>>, vector<10000x128xf32>
    %get3A_2 = arith.constant 0 : index
    %get3A_3 = arith.constant 0 : index
    %get3A_4 = vector.load %arg1[%get3A_2, %get3A_3] : memref<128x256xf32, #tpu.memory_space<vmem>>, vector<128x256xf32>
    %slice3A = vector.extract_strided_slice %get3A_4 {offsets = [0, 0], sizes = [128, 128], strides = [1, 1]} : vector<128x256xf32> to vector<128x128xf32>
    %dot_general3A = arith.constant dense<0.000000e+00> : vector<10000x128xf32>
    %dot_general3A_5 = tpu.matmul %get3A_1, %slice3A, %dot_general3A {dimension_numbers = #tpu.dot_dimension_numbers<[1], [1], [0], [0], [0, 0, 1, 0], [], []>, transpose_lhs_hint = false} : vector<10000x128xf32>, vector<128x128xf32>, vector<10000x128xf32> -> vector<10000x128xf32>
    %swap3A = arith.constant 0 : index
    %swap3A_6 = arith.constant 0 : index
    %swap3A_7 = vector.load %arg7[%swap3A, %swap3A_6] : memref<20000x128xf32, #tpu.memory_space<vmem>>, vector<10000x128xf32>
    tpu.vector_store %arg7[%swap3A, %swap3A_6], %dot_general3A_5 {strides = array<i32>} : memref<20000x128xf32, #tpu.memory_space<vmem>>, vector<10000x128xf32>,
    %slice3A_8 = vector.extract_strided_slice %get3A_4 {offsets = [0, 128], sizes = [128, 128], strides = [1, 1]} : vector<128x256xf32> to vector<128x128xf32>
    %dot_general3A_9 = arith.constant dense<0.000000e+00> : vector<10000x128xf32>
    %dot_general3A_10 = tpu.matmul %get3A_1, %slice3A_8, %dot_general3A_9 {dimension_numbers = #tpu.dot_dimension_numbers<[1], [1], [0], [0], [0, 0, 1, 0], [], []>, transpose_lhs_hint = false} : vector<10000x128xf32>, vector<128x128xf32>, vector<10000x128xf32> -> vector<10000x128xf32>
    %get3A_11 = arith.constant 0 : index
    %get3A_12 = vector.load %arg2[%get3A_11] : memref<128xf32, #tpu.memory_space<vmem>>, vector<128xf32>
    %broadcast_in_dim3A = vector.shape_cast %get3A_12 : vector<128xf32> to vector<1x128xf32>
    %add3A = vector.broadcast %broadcast_in_dim3A : vector<1x128xf32> to vector<10000x128xf32>
    %add3A_13 = arith.addf %dot_general3A_10, %add3A : vector<10000x128xf32>
    %swap3A_14 = arith.constant 10000 : index
    %swap3A_15 = arith.constant 0 : index
    %swap3A_16 = vector.load %arg7[%swap3A_14, %swap3A_15] : memref<20000x128xf32, #tpu.memory_space<vmem>>, vector<10000x128xf32>
    tpu.vector_store %arg7[%swap3A_14, %swap3A_15], %add3A_13 {strides = array<i32>} : memref<20000x128xf32, #tpu.memory_space<vmem>>, vector<10000x128xf32>,
    %get3A_17 = arith.constant 0 : index
    %get3A_18 = arith.constant 0 : index
    %get3A_19 = vector.load %arg3[%get3A_17, %get3A_18] : memref<128x8xf32, #tpu.memory_space<vmem>>, vector<128x8xf32>
    %dot_general3A_20 = arith.constant dense<0.000000e+00> : vector<10000x8xf32>
    %dot_general3A_21 = tpu.matmul %get3A_1, %get3A_19, %dot_general3A_20 {dimension_numbers = #tpu.dot_dimension_numbers<[1], [0], [0], [1], [0, 0, 1, 1], [], []>, transpose_lhs_hint = false} : vector<10000x128xf32>, vector<128x8xf32>, vector<10000x8xf32> -> vector<10000x8xf32>
    %get3A_22 = arith.constant 0 : index
    %get3A_23 = arith.constant 0 : index
    %get3A_24 = vector.load %arg4[%get3A_22, %get3A_23] : memref<128x8xf32, #tpu.memory_space<vmem>>, vector<128x8xf32>
    %dot_general3A_25 = arith.constant dense<0.000000e+00> : vector<10000x8xf32>
    %dot_general3A_26 = tpu.matmul %get3A_1, %get3A_24, %dot_general3A_25 {dimension_numbers = #tpu.dot_dimension_numbers<[1], [0], [0], [1], [0, 0, 1, 1], [], []>, transpose_lhs_hint = false} : vector<10000x128xf32>, vector<128x8xf32>, vector<10000x8xf32> -> vector<10000x8xf32>
    %slice3A_27 = vector.extract_strided_slice %dot_general3A_21 {offsets = [0, 0], sizes = [10000, 1], strides = [1, 1]} : vector<10000x8xf32> to vector<10000x1xf32>
    %reduce_max3A = vector.shape_cast %dot_general3A_21 : vector<10000x8xf32> to vector<1x10000x8xf32>
    %reduce_max3A_28 = arith.constant dense<0xFF800000> : vector<1xf32>
    %reduce_max3A_29 = vector.multi_reduction <maximumf>, %reduce_max3A, %reduce_max3A_28 [1, 2] : vector<1x10000x8xf32> to vector<1xf32>
    %reduce_max3A_30 = vector.shape_cast %reduce_max3A_29 : vector<1xf32> to vector<1x1x1xf32>
    %reduce_max3A_31 = vector.extract %reduce_max3A_30[0, 0, 0] : f32 from vector<1x1x1xf32>
    %sub3A = vector.broadcast %reduce_max3A_31 : f32 to vector<10000x1xf32>
    %sub3A_32 = arith.subf %slice3A_27, %sub3A : vector<10000x1xf32>
    %exp3A = math.exp %sub3A_32 : vector<10000x1xf32>
    %swap3A_33 = arith.constant 0 : index
    %swap3A_34 = arith.constant 0 : index
    %swap3A_35 = vector.load %arg8[%swap3A_33, %swap3A_34] : memref<10000x1xf32, #tpu.memory_space<vmem>>, vector<10000x1xf32>
    tpu.vector_store %arg8[%swap3A_33, %swap3A_34], %exp3A {strides = array<i32>} : memref<10000x1xf32, #tpu.memory_space<vmem>>, vector<10000x1xf32>,
    %slice3A_36 = vector.extract_strided_slice %dot_general3A_26 {offsets = [0, 0], sizes = [10000, 1], strides = [1, 1]} : vector<10000x8xf32> to vector<10000x1xf32>
    %reduce_max3A_37 = vector.shape_cast %dot_general3A_26 : vector<10000x8xf32> to vector<1x10000x8xf32>
    %reduce_max3A_38 = arith.constant dense<0xFF800000> : vector<1xf32>
    %reduce_max3A_39 = vector.multi_reduction <maximumf>, %reduce_max3A_37, %reduce_max3A_38 [1, 2] : vector<1x10000x8xf32> to vector<1xf32>
    %reduce_max3A_40 = vector.shape_cast %reduce_max3A_39 : vector<1xf32> to vector<1x1x1xf32>
    %reduce_max3A_41 = vector.extract %reduce_max3A_40[0, 0, 0] : f32 from vector<1x1x1xf32>
    %sub3A_42 = vector.broadcast %reduce_max3A_41 : f32 to vector<10000x1xf32>
    %sub3A_43 = arith.subf %slice3A_36, %sub3A_42 : vector<10000x1xf32>
    %exp3A_44 = math.exp %sub3A_43 : vector<10000x1xf32>
    %swap3A_45 = arith.constant 0 : index
    %swap3A_46 = arith.constant 0 : index
    %swap3A_47 = vector.load %arg9[%swap3A_45, %swap3A_46] : memref<10000x1xf32, #tpu.memory_space<vmem>>, vector<10000x1xf32>
    tpu.vector_store %arg9[%swap3A_45, %swap3A_46], %exp3A_44 {strides = array<i32>} : memref<10000x1xf32, #tpu.memory_space<vmem>>, vector<10000x1xf32>,
    %get3A_48 = arith.constant 0 : index
    %get3A_49 = arith.constant 0 : index
    %get3A_50 = vector.load %arg5[%get3A_48, %get3A_49] : memref<2500x128xi32, #tpu.memory_space<vmem>>, vector<2500x128xi32>
    %shift_left3A = arith.constant 14 : i32
    %shift_left3A_51 = vector.broadcast %shift_left3A : i32 to vector<2500x128xi32>
    %shift_left3A_52 = arith.shli %get3A_50, %shift_left3A_51 : vector<2500x128xi32>
    %get3A_53 = arith.constant 0 : index
    %get3A_54 = arith.constant 0 : index
    %get3A_55 = vector.load %arg6[%get3A_53, %get3A_54] : memref<2500x128xi32, #tpu.memory_space<vmem>>, vector<2500x128xi32>
    %or3A = arith.ori %shift_left3A_52, %get3A_55 : vector<2500x128xi32>
    %swap3A_56 = arith.constant 0 : index
    %swap3A_57 = arith.constant 0 : index
    %swap3A_58 = vector.load %arg10[%swap3A_56, %swap3A_57] : memref<2500x128xi32, #tpu.memory_space<vmem>>, vector<2500x128xi32>
    tpu.vector_store %arg10[%swap3A_56, %swap3A_57], %or3A {strides = array<i32>} : memref<2500x128xi32, #tpu.memory_space<vmem>>, vector<2500x128xi32>,
    return
  }
}

module attributes {stable_mosaic.version = 14 : i64} {
  func.func @_final_body(%arg0: memref<2x5008x128xf32, #tpu.memory_space<vmem>>, %arg1: memref<32x10240xf32, #tpu.memory_space<vmem>>, %arg2: memref<10000x1xf32, #tpu.memory_space<vmem>>, %arg3: memref<10000x128xf32, #tpu.memory_space<vmem>>) attributes {dimension_semantics = [], scalar_prefetch = 0 : i64, scratch_operands = 0 : i64, tpu.core_type = #tpu.core_type<tc>} {
    %get3A = arith.constant 0 : index
    %get3A_0 = arith.constant 0 : index
    %get3A_1 = vector.load %arg1[%get3A, %get3A_0] : memref<32x10240xf32, #tpu.memory_space<vmem>>, vector<32x10240xf32>
    %broadcast_in_dim3A = arith.constant 1.000000e+00 : f32
    %broadcast_in_dim3A_2 = vector.broadcast %broadcast_in_dim3A : f32 to vector<32x1xf32>
    %dot_general3A = arith.constant dense<0.000000e+00> : vector<10240x1xf32>
    %dot_general3A_3 = tpu.matmul %get3A_1, %broadcast_in_dim3A_2, %dot_general3A {dimension_numbers = #tpu.dot_dimension_numbers<[0], [0], [1], [1], [0, 1, 1, 1], [], []>, transpose_lhs_hint = false} : vector<32x10240xf32>, vector<32x1xf32>, vector<10240x1xf32> -> vector<10240x1xf32>
    %slice3A = vector.extract_strided_slice %dot_general3A_3 {offsets = [0, 0], sizes = [10000, 1], strides = [1, 1]} : vector<10240x1xf32> to vector<10000x1xf32>
    %get3A_4 = arith.constant 0 : index
    %get3A_5 = arith.constant 0 : index
    %get3A_6 = vector.load %arg2[%get3A_4, %get3A_5] : memref<10000x1xf32, #tpu.memory_space<vmem>>, vector<10000x1xf32>
    %mul3A = arith.mulf %slice3A, %get3A_6 : vector<10000x1xf32>
    %add3A = arith.constant 9.99999997E-7 : f32
    %add3A_7 = vector.broadcast %add3A : f32 to vector<10000x1xf32>
    %add3A_8 = arith.addf %mul3A, %add3A_7 : vector<10000x1xf32>
    %div3A = arith.divf %get3A_6, %add3A_8 : vector<10000x1xf32>
    %get3A_9 = arith.constant 0 : index
    %get3A_10 = arith.constant 0 : index
    %get3A_11 = arith.constant 0 : index
    %get3A_12 = vector.load %arg0[%get3A_9, %get3A_10, %get3A_11] : memref<2x5008x128xf32, #tpu.memory_space<vmem>>, vector<1x5000x128xf32>
    %get3A_13 = vector.shape_cast %get3A_12 : vector<1x5000x128xf32> to vector<5000x128xf32>
    %slice3A_14 = vector.extract_strided_slice %div3A {offsets = [0, 0], sizes = [5000, 1], strides = [1, 1]} : vector<10000x1xf32> to vector<5000x1xf32>
    %mul3A_15 = vector.broadcast %slice3A_14 : vector<5000x1xf32> to vector<5000x128xf32>
    %mul3A_16 = arith.mulf %get3A_13, %mul3A_15 : vector<5000x128xf32>
    %swap3A = arith.constant 0 : index
    %swap3A_17 = arith.constant 0 : index
    %swap3A_18 = vector.load %arg3[%swap3A, %swap3A_17] : memref<10000x128xf32, #tpu.memory_space<vmem>>, vector<5000x128xf32>
    tpu.vector_store %arg3[%swap3A, %swap3A_17], %mul3A_16 {strides = array<i32>} : memref<10000x128xf32, #tpu.memory_space<vmem>>, vector<5000x128xf32>,
    %get3A_19 = arith.constant 1 : index
    %get3A_20 = arith.constant 0 : index
    %get3A_21 = arith.constant 0 : index
    %get3A_22 = vector.load %arg0[%get3A_19, %get3A_20, %get3A_21] : memref<2x5008x128xf32, #tpu.memory_space<vmem>>, vector<1x5000x128xf32>
    %get3A_23 = vector.shape_cast %get3A_22 : vector<1x5000x128xf32> to vector<5000x128xf32>
    %slice3A_24 = vector.extract_strided_slice %div3A {offsets = [5000, 0], sizes = [5000, 1], strides = [1, 1]} : vector<10000x1xf32> to vector<5000x1xf32>
    %mul3A_25 = vector.broadcast %slice3A_24 : vector<5000x1xf32> to vector<5000x128xf32>
    %mul3A_26 = arith.mulf %get3A_23, %mul3A_25 : vector<5000x128xf32>
    %swap3A_27 = arith.constant 5000 : index
    %swap3A_28 = arith.constant 0 : index
    %swap3A_29 = vector.load %arg3[%swap3A_27, %swap3A_28] : memref<10000x128xf32, #tpu.memory_space<vmem>>, vector<5000x128xf32>
    tpu.vector_store %arg3[%swap3A_27, %swap3A_28], %mul3A_26 {strides = array<i32>} : memref<10000x128xf32, #tpu.memory_space<vmem>>, vector<5000x128xf32>,
    return
  }
}

</mosaic_0001>

<sc_bundles>
// kernel: kernel.5.cloned.1.call-start
scs
__scs_entry_jumppad:
0x0: {  	(pc) =	sbr.rel $0x88, $3  }
0x1: {  	(tag) =	ssettag $0x0;
	lr =	simm.s32 $0x1  }
0x2: {  	[smem:$0x3F9B] =	sst lr;
	_ =	strace $0xD0000000  }
0x3: {  	_ = 	snop  }
0x4: {  	_ = 	snop  }
0x5: {  	_ = 	snop  }
0x6: {  	_ = 	snop  }
0x7: {  	_ = 	snop  }
__scs_overlays_trampoline_lowered:
0x8: {  	[smem:$0x3FAA] =	sst s0  }
0x9: {  	[smem:$0x3FAB] =	sst s1  }
0xa: {  	[smem:$0x3FAC] =	sst s2  }
0xb: {  	[smem:$0x3FAD] =	sst s3  }
0xc: {  	[smem:$0x3FAE] =	sst s4  }
0xd: {  	[smem:$0x3FAF] =	sst s5  }
0xe: {  	[smem:$0x3FB0] =	sst s6  }
0xf: {  	[smem:$0x3FB1] =	sst s7  }
0x10: {  	[smem:$0x3FB2] =	sst s8  }
0x11: {  	[smem:$0x3FB3] =	sst s9;
	s0 =	simm.s32 @!p0 $0x0  }
0x12: {  	s1 =	sld [smem:$0x3F99];
	s0 =	simm.s32 @p0 $0x1  }
0x13: {  	[smem:$0x3FB4] =	sst s0;
	s0 =	simm.s32 @!p1 $0x0  }
0x14: {  	s2 =	sld [smem:$0x3F98];
	s0 =	simm.s32 @p1 $0x1  }
0x15: {  	[smem:$0x3FB5] =	sst s0;
	s0 =	simm.s32 @!p2 $0x0  }
0x16: {  	s3 =	sld [smem:$0x3FDB];
	s0 =	simm.s32 @p2 $0x1  }
0x17: {  	s4 =	simm.s32 $0x1BF5;
	[smem:$0x3FB7] =	sst s0  }
0x18: {  	s0 =	sld [smem:$0x3F9A];
	_ =	swait.ge [sflag:s4], $0x0  }
0x19: {  	s7 =	sld [smem:$0x3F9B]  }
0x1a: {  	s8 =	sadd.s32 $0xFFFFE003, lr  }
0x1b: {  	s9 =	sadd.s32 $0xFFFFFEF7, lr;
	s5 =	simm.s32 $0xFFFFFFFF;
	p2 =	slt.u32 s8, $0xFFFFF086  }
0x1c: {  	p1 =	slt.u32 s9, $0xF7A;
	s5 =	simm.s32 @!p2 $0x0  }
0x1d: {  	s5 =	simm.s32 @p1 $0x1;
	p0 =	seq.s32 s7, s2  }
0x1e: {  	s7 =	smul.u32 @!p0 $0xF7A, s2;
	p2 =	seq.s32 @!p0 s5, $0x0  }
0x1f: {  	s9 =	smul.u32 $0xF7A, s1;
	s8 =	simm.s32 @!p0 $0x1BF5;
	p2 =	por !p2, p0  }
0x20: {  	[sflag:s8] =	ssyncset.s32 @!p0 $0xFFFFF086;
	s6 =	sadd.s32 @!p0 s3, s7;
	s7 =	simm.s32 @!p0 $0x108  }
0x21: {  	s3 =	sadd.s32 s3, s9;
	s6 =	sadd.s32 @!p0 $0x88, s6;
	s7 =	simm.s32 @p2 $0x1082  }
0x22: {  	[simem:s7], [sflag:s8] =	dma.local @!p0 [hbm:s6], $0xF7A  }
0x23: {  	s9 =	sor.u32 $0xD0000000, s2;
	s6 =	simm.s32 $0x108;
	_ =	swait.ge @!p0 [sflag:s8], $0x0  }
0x24: {  	s3 =	sadd.s32 $0x88, s3;
	s6 =	simm.s32 @!p1 $0x1082;
	[sflag:s4] =	ssyncset.s32 $0xFFFFF086  }
0x25: {  	[simem:s6], [sflag:s4] =	dma.local [hbm:s3], $0xF7A  }
0x26: {  	[smem:$0x3F9B] =	sst s1;
	(tag) =	ssettag s2;
	_ =	strace s9  }
0x27: {  	s1 =	sld [smem:$0x3FAB]  }
0x28: {  	s2 =	sld [smem:$0x3FAC]  }
0x29: {  	s4 =	sld [smem:$0x3FAE]  }
0x2a: {  	p0 =	seq.s32 s5, $0x0;
	s5 =	sld [smem:$0x3FAF]  }
0x2b: {  	s6 =	sld [smem:$0x3FB0]  }
0x2c: {  	s7 =	sld [smem:$0x3FB1]  }
0x2d: {  	s3 =	simm.s32 $0x108;
	s8 =	sld [smem:$0x3FB2]  }
0x2e: {  	s3 =	simm.s32 @!p0 $0x1082;
	s9 =	sld [smem:$0x3FB3]  }
0x2f: {  	lr =	sadd.s32 s0, s3;
	s0 =	sld [smem:$0x3FAA]  }
0x30: {  	s3 =	sld [smem:$0x3FAD]  }
0x31: {  	[smem:$0x3FB6] =	sst s10  }
0x32: {  	s10 =	sld [smem:$0x3FB4];
	_ =	sdelay $0x3  }
0x33: {  	p0 =	seq.s32 s10, $0x1;
	s10 =	sld [smem:$0x3FB6];
	_ =	sdelay $0x3  }
0x34: {  	[smem:$0x3FB6] =	sst s10  }
0x35: {  	s10 =	sld [smem:$0x3FB5];
	_ =	sdelay $0x3  }
0x36: {  	p1 =	seq.s32 s10, $0x1;
	s10 =	sld [smem:$0x3FB6];
	_ =	sdelay $0x3  }
0x37: {  	[smem:$0x3FB6] =	sst s10  }
0x38: {  	s10 =	sld [smem:$0x3FB7]  }
0x39: {  	_ = 	snop;
	(pc) =	sbr.ind lr, $3  }
0x3a: {  	_ = 	snop  }
0x3b: {  	_ = 	snop  }
0x3c: {  	p2 =	seq.s32 s10, $0x1;
	s10 =	sld [smem:$0x3FB6]  }
0x3d: {  	_ =	shalt  }
0x3e: {  	_ =	shalt  }
0x3f: {  	_ =	shalt  }
0x40: {  	_ =	shalt  }
0x41: {  	_ =	shalt  }
0x42: {  	_ =	shalt  }
0x43: {  	_ =	shalt  }
0x44: {  	_ =	shalt  }
0x45: {  	_ =	shalt  }
0x46: {  	_ =	shalt  }
0x47: {  	_ =	shalt  }
0x48: {  	_ =	shalt  }
0x49: {  	_ =	shalt  }
0x4a: {  	_ =	shalt  }
0x4b: {  	_ =	shalt  }
0x4c: {  	_ =	shalt  }
0x4d: {  	_ =	shalt  }
0x4e: {  	_ =	shalt  }
0x4f: {  	_ =	shalt  }
0x50: {  	_ =	shalt  }
0x51: {  	_ =	shalt  }
0x52: {  	_ =	shalt  }
0x53: {  	_ =	shalt  }
0x54: {  	_ =	shalt  }
0x55: {  	_ =	shalt  }
0x56: {  	_ =	shalt  }
0x57: {  	_ =	shalt  }
0x58: {  	_ =	shalt  }
0x59: {  	_ =	shalt  }
0x5a: {  	_ =	shalt  }
0x5b: {  	_ =	shalt  }
0x5c: {  	_ =	shalt  }
0x5d: {  	_ =	shalt  }
0x5e: {  	_ =	shalt  }
0x5f: {  	_ =	shalt  }
0x60: {  	_ =	shalt  }
0x61: {  	_ =	shalt  }
0x62: {  	_ =	shalt  }
0x63: {  	_ =	shalt  }
0x64: {  	_ =	shalt  }
0x65: {  	_ =	shalt  }
0x66: {  	_ =	shalt  }
0x67: {  	_ =	shalt  }
0x68: {  	_ =	shalt  }
0x69: {  	_ =	shalt  }
0x6a: {  	_ =	shalt  }
0x6b: {  	_ =	shalt  }
0x6c: {  	_ =	shalt  }
0x6d: {  	_ =	shalt  }
0x6e: {  	_ =	shalt  }
0x6f: {  	_ =	shalt  }
0x70: {  	_ =	shalt  }
0x71: {  	_ =	shalt  }
0x72: {  	_ =	shalt  }
0x73: {  	_ =	shalt  }
0x74: {  	_ =	shalt  }
0x75: {  	_ =	shalt  }
0x76: {  	_ =	shalt  }
0x77: {  	_ =	shalt  }
0x78: {  	_ =	shalt  }
0x79: {  	_ =	shalt  }
0x7a: {  	_ =	shalt  }
0x7b: {  	_ =	shalt  }
0x7c: {  	_ =	shalt  }
0x7d: {  	_ =	shalt  }
0x7e: {  	_ =	shalt  }
0x7f: {  	_ =	shalt  }
0x80: {  	_ =	shalt  }
0x81: {  	_ =	shalt  }
0x82: {  	_ =	shalt  }
0x83: {  	_ =	shalt  }
0x84: {  	_ =	shalt  }
0x85: {  	_ =	shalt  }
0x86: {  	_ =	shalt  }
0x87: {  	_ =	shalt  }
.Lfunc_end0:
.L_simem_size_0:
called_computation_lowered:
.L_overlay_start_0:
0x88: {  	s2 =	sld [smem:$0x3FD9]  }
0x89: {  	s3 =	sld [smem:$0x3FFE];
	_ =	sdelay $0x1  }
0x8a: {  	s1 =	srdreg.scid  }
0x8b: {  	s0 =	sand.u32 $0x1, s1  }
0x8c: {  	s17 =	sshll.u32 s0, $0xA;
	s2 =	sadd.s32 s3, s2  }
0x8d: {  	s2 =	sadd.s32 s2, s17  }
0x8e: {  	[smem:$0x3FC2] =	sst s2  }
0x8f: {  	_ = 	snop  }
0x90: {  	s2 =	sld [smem:$0x3FD0];
	(tm) =	ssettm $0x1  }
0x91: {  	s18 =	sld [smem:$0x3FFB];
	_ =	sdelay $0x3  }
0x92: {  	_ =	strace s18  }
0x93: {  	s3 =	sld [smem:$0x3FFC];
	_ =	sdelay $0x3  }
0x94: {  	_ =	strace s3  }
0x95: {  	s3 =	sld [smem:$0x3FFD];
	_ =	sdelay $0x3  }
0x96: {  	_ =	strace s3  }
0x97: {  	_ =	strace $0x8FFFFFFF  }
0x98: {  	s19 =	sld [smem:$0x3FDB];
	_ =	sdelay $0x1  }
0x99: {  	s4 =	simm.s32 $_scs_section_size  }
0x9a: {  	s5 =	simm.s32 $_size__tile_overlayer_lowered;
	s6 =	simm.s32 $_tile_overlayer_lowered  }
0x9b: {  	s22 =	simm.s32 $0x1BFF;
	s21 =	sshll.u32 s6, $0x1;
	s3 =	sadd.s32 s4, s19  }
0x9c: {  	s7 =	simm.s32 $0x0;
	s20 =	sshll.u32 s5, $0x1;
	s5 =	sadd.s32 s21, s3  }
0x9d: {  	[timem:s7], [sflag:s22] =	dma.local [hbm:s5], s20  }
0x9e: {  	_ =	swait.ge [sflag:s22], s20  }
0x9f: {  	s4 =	ssub.s32 $0x0, s20;
	[sflag:s22] =	ssyncset.done $0x0  }
0xa0: {  	[sflag:s22] =	ssyncadd.s32 s4;
	_ =	sdelay $0x1  }
0xa1: {  	s23 =	simm.s32 $0x1B8B  }
0xa2: {  	_ =	swait.ge [sflag:s23], $0x1  }
0xa3: {  	[sflag:s23] =	ssyncset.done $0x0  }
0xa4: {  	s25 =	simm.s32 $0x1B8E;
	s24 =	sld [smem:$0x3FFE];
	[sflag:s23] =	ssyncadd.s32 $0xFFFFFFFF  }
0xa5: {  	s26 =	simm.s32 $execute0_lowered;
	[smem:$0x3FD2] =	sst s25  }
0xa6: {  	s5 =	sshll.u32 s26, $0x1;
	_ =	strace $0x80000046;
	[dreg:$0x1] =	wrdreg $0xFFFFFFFF  }
0xa7: {  	s28 =	simm.s32 $_size_execute0_lowered;
	s3 =	sadd.s32 s3, s5;
	[dreg:$0x0] =	wrdreg $0x0  }
0xa8: {  	s5 =	sshll.u32 s28, $0x1;
	[dreg:$0x2] =	wrdreg s3  }
0xa9: {  	[dreg:$0x3] =	wrdreg s5  }
0xaa: {  	[dreg:$0x4] =	wrdreg $0xC0  }
0xab: {  	_ =	task [dreg:s7], $0x5FFFF  }
0xac: {  	[dreg:$0x1] =	wrdreg $0xFFFFFFFF  }
0xad: {  	[dreg:$0x0] =	wrdreg $0x60  }
0xae: {  	[dreg:$0x2] =	wrdreg s24  }
0xaf: {  	[dreg:$0x3] =	wrdreg s2  }
0xb0: {  	[dreg:$0x4] =	wrdreg $0xF5800  }
0xb1: {  	[dreg:$0x5] =	wrdreg $0x9  }
0xb2: {  	_ =	task.clear_ibuf [dreg:s7], $0x6FFFF;
	_ =	strace $0x90000046  }
0xb3: {  	s29 =	simm.s32 $0x9;
	_ =	strace $0x80000048  }
0xb4: {  	_ =	swait.ge [sflag:s29], $0x1  }
0xb5: {  	[sflag:s29] =	ssyncadd.s32 $0xFFFFFFFF  }
0xb6: {  	_ =	strace $0x90000048  }
0xb7: {  	_ =	sfence  }
0xb8: {  	s30 =	sld [smem:$0x0];
	_ =	sdelay $0x2  }
0xb9: {  	s31 =	sshll.u32 s1, $0xD;
	s1 =	sshrl.u32 s1, $0x2  }
0xba: {  	s3 =	sand.u32 $0x4000, s31;
	s1 =	sadd.s32 s1, s30  }
0xbb: {  	s0 =	sor.u32 s3, s0;
	s1 =	sshll.u32 s1, $0x11  }
0xbc: {  	s0 =	sor.u32 s1, s0  }
0xbd: {  	s0 =	sadd.s32 $0x8F2B, s0  }
0xbe: {  	[sflag:s0] =	ssyncadd.remote.s32 $0x1  }
0xbf: {  	_ =	sfence.sel $0xFFFF  }
0xc0: {  	[dreg:$0x0] =	wrdreg $0xFFFFFFFF;
	(pc) =	sbr.abs _section_cstart, $3  }
0xc1: {  	[dreg:$0x1] =	wrdreg $0xFFFFFFFF  }
0xc2: {  	_ =	task.clear_ibuf [dreg:s7], $0x2FFFF;
	_ =	strace $0x9FFFFFFF  }
0xc3: {  	(tm) =	ssettm $0x7FFFFFFF  }
tec
execute0_lowered:
.L_overlay_start_1:
0x0: {  	(tag) =	ssettag $0x1  }
0x1: {  	s0 =	rddreg [dreg:$0x0]  }
0x2: {  	s2 =	rddreg [dreg:$0x1]  }
0x3: {  	s1 =	rddreg [dreg:$0x2];
	s3 =	simm.s32 $0x0;
	s4 =	srdreg.scid  }
0x4: {  	s13 =	stileid.u32;
	s15 =	simm.s32 $0xCD80;
	s16 =	simm.s32 $0x3  }
0x5: {  	s17 =	simm.s32 $0xA600;
	s18 =	simm.s32 $0xA0;
	s19 =	simm.s32 $0x100  }
0x6: {  	s20 =	simm.s32 $0x500;
	s21 =	simm.s32 $0x80;
	s28 =	simm.s32 $0x50  }
0x7: {  	s29 =	simm.s32 $0x400;
	s30 =	simm.s32 $0x2;
	s31 =	simm.s32 $0x380  }
0x8: {  	[smem:$0x7FF] =	sst s3;
	s5 =	sand.u32 $0x1, s4;
	s9 =	smul.u32 $0x4E20, s13  }
0x9: {  	s7 =	sshll.u32 s13, $0xB;
	s12 =	ssub.s32 $0x148, s13;
	s13 =	smul.u32 $0x2800, s13  }
0xa: {  	s4 =	sadd.s32 $0x1600, s0;
	s8 =	sadd.s32 $0x59600, s0;
	s6 =	smul.u32 $0x9C800, s5  }
0xb: {  	_ =	strace $0x80000047;
	[dreg:$0x4] =	wrdreg s8;
	s10 =	smul.u32 $0x28000, s5  }
0xc: {  	s23 =	ssub.s32 $0x2, s5;
	s5 =	smul.u32 $0x1388, s5;
	s24 =	sshrl.u32 s12, $0x4  }
0xd: {  	s11 =	sshrl.u32 s23, $0x1;
	[dreg:$0x5] =	wrdreg s24;
	s25 =	sshrl.u32 s9, $0x3  }
0xe: {  	s24 =	simm.s32 $0x1;
	s22 =	sadd.s32 s7, s6;
	s6 =	sadd.s32 $0x4F800, s0  }
0xf: {  	s14 =	ssub.s32 s23, s11;
	s26 =	sadd.s32 s13, s10;
	s10 =	sadd.s32 $0x50, s9  }
0x10: {  	s13 =	sadd.s32 $0x1388, s5;
	s11 =	sadd.s32 $0xA0, s9;
	s23 =	simm.s32 $0x5500  }
0x11: {  	v0 =	vmov s5;
	s5 =	simm.s32 $0x0;
	s8 =	sshrl.u32 s22, $0x3;
	s12 =	sshrl.u32 s26, $0x3  }
0x12: {  	s26 =	smax.u32 s14, $0x1;
	s22 =	simm.s32 $0x200;
	s0 =	sadd.s32 s8, s0  }
0x13: {  	s8 =	sadd.s32 s7, s1;
	s7 =	sadd.s32 s6, s25;
	[dreg:$0x8] =	wrdreg s26  }
0x14: {  	s2 =	sadd.s32 s2, s12;
	s25 =	simm.s32 $0x300;
	[dreg:$0x6] =	wrdreg s7  }
0x15: {  	s26 =	simm.s32 $0xA500;
	[dreg:$0x7] =	wrdreg s2;
	s0 =	sadd.s32 $0x59C00, s0  }
0x16: {  	v2 =	vimm.f32 $0.0e+00;
	vm0 =	vmmov $0x1;
	v1 =	vmov s13;
	s2 =	simm.s32 $0x480;
	[dreg:$0x9] =	wrdreg s0;
	s0 =	simm.s32 $0xA580  }
.LBB2_1:
0x17: {  	s7 =	simm.s32 $0x0;
	s9 =	simm.s32 $0x200  }
.LBB2_2:
0x18: {  	p0 =	sne.s32 s9, $0x9E00;
	[tilespmem:s7+$0xCDF0] =	vst v2  }
0x19: {  	[tilespmem:s7+$0xCD80] =	vst v2  }
0x1a: {  	[tilespmem:s7+$0xCD90] =	vst v2  }
.Ltmp0:
0x1b: {  	[tilespmem:s7+$0xCDA0] =	vst v2;
	(pc) =	sbr.rel @p0 .LBB2_2-.Ltmp0, $4  }
0x1c: {  	[tilespmem:s7+$0xCDB0] =	vst v2  }
0x1d: {  	[tilespmem:s7+$0xCDC0] =	vst v2  }
0x1e: {  	[tilespmem:s7+$0xCDD0] =	vst v2  }
0x1f: {  	[tilespmem:s7+$0xCDE0] =	vst v2;
	s7 =	sshra.s32 s9, $0x2;
	s9 =	sadd.s32 $0x200, s9  }
0x20: {  	[tilespmem:s7+$0xCDF0] =	vst v2  }
0x21: {  	[tilespmem:s7+$0xCD80] =	vst v2  }
0x22: {  	[tilespmem:s7+$0xCD90] =	vst v2  }
0x23: {  	[tilespmem:s7+$0xCDA0] =	vst v2  }
0x24: {  	[tilespmem:s7+$0xCDB0] =	vst v2;
	s14 =	rddreg [dreg:$0x5]  }
0x25: {  	[tilespmem:s7+$0xCDC0] =	vst v2;
	p0 =	sne.s32 s14, $0x1  }
.Ltmp1:
0x26: {  	[tilespmem:s7+$0xCDD0] =	vst v2;
	(pc) =	sbr.rel @!p0 .LBB2_5-.Ltmp1, $4  }
0x27: {  	[tilespmem:s7+$0xCDE0] =	vst v2  }
0x28: {  	[spmem:s8] =	stream.linear.scatter [tilespmem:s15], [sflag:$0x3], $0x800, $0x38;
	[tilespmem:$0x19200] =	vst v63  }
0x29: {  	_ =	swait.ge [sflag:s16], $0x800  }
0x2a: {  	s9 =	smov.u32 s8;
	s7 =	sadd.s32 $0xFFFFFFFF, s14;
	[sflag:s16] =	ssyncset.done $0x0  }
.LBB2_4:
0x2b: {  	p1 =	sne.s32 s7, $0x1;
	[sflag:s16] =	ssyncadd.s32 $0xFFFFF800;
	s9 =	sadd.s32 $0x8000, s9  }
.Ltmp2:
0x2c: {  	s7 =	sadd.s32 $0xFFFFFFFF, s7;
	(pc) =	sbr.rel @p1 .LBB2_4-.Ltmp2, $4  }
0x2d: {  	_ = 	snop  }
0x2e: {  	[spmem:s9] =	stream.linear.scatter [tilespmem:s15], [sflag:$0x3], $0x800, $0x38;
	[tilespmem:$0x19200] =	vst v63  }
0x2f: {  	_ =	swait.ge [sflag:s16], $0x800  }
0x30: {  	[sflag:s16] =	ssyncset.done $0x0  }
.LBB2_5:
0x31: {  	[sflag:s16] =	ssyncadd.s32 $0xFFFFF800;
	s9 =	simm.s32 $0x0;
	s7 =	rddreg [dreg:$0x4]  }
0x32: {  	[tilespmem:s17], [sflag:$0x3] =	stream.linear.gather [hbm4b:s7+s9], $0x2780, $0x38;
	[tilespmem:$0x19200] =	vst v63  }
0x33: {  	_ =	swait.ge [sflag:s16], $0x2780  }
0x34: {  	[sflag:s16] =	ssyncset.done $0x0  }
0x35: {  	[sflag:s16] =	ssyncadd.s32 $0xFFFFD880  }
0x36: {  	[bflag:$0x0] =	sbarrier.arrive $0xFFFF  }
0x37: {  	s14 =	rddreg [dreg:$0x6]  }
0x38: {  	[tilespmem:s9], [sflag:$0x3] =	stream.linear.gather [hbm4b:s14+s9], $0x50, $0x38;
	[tilespmem:$0x19200] =	vst v63  }
0x39: {  	_ =	swait.ge [sflag:s16], $0x50  }
0x3a: {  	[sflag:s16] =	ssyncset.done $0x0  }
0x3b: {  	[sflag:s16] =	ssyncadd.s32 $0xFFFFFFB0  }
0x3c: {  	v3 =	vld [tilespmem:$0x0];
	_ =	sdelay $0x4  }
0x3d: {  	v4 =	vand.u32 $0x3FFF, v3;
	v3 =	vshrl.u32 v3, $0xE  }
0x3e: {  	[tilespmem:$0x100] =	vst v3  }
0x3f: {  	v5 =	vadd.s32 $0x2710, v4;
	v50 =	vsub.s32 v4, v0;
	[tilespmem:$0x300] =	vst v4  }
0x40: {  	v52 =	vld [tilespmem:$0x10];
	[tilespmem:$0x150] =	vst v5;
	v51 =	vmin.u32 v50, $0x1388  }
0x41: {  	[tilespmem:$0x400] =	vst v51  }
0x42: {  	v3 =	vld.idx.msk [tilespmem:v3+s17+$0x0], $0xffff;
	_ =	sdelay $0x2  }
0x43: {  	v4 =	vshrl.u32 v52, $0xE  }
0x44: {  	[tilespmem:$0x110] =	vst v4  }
0x45: {  	[tilespmem:$0xA500] =	vst v3;
	v3 =	vand.u32 $0x3FFF, v52  }
0x46: {  	v53 =	vadd.s32 $0x2710, v3;
	v54 =	vsub.s32 v3, v0;
	[tilespmem:$0x310] =	vst v3  }
0x47: {  	v55 =	vld [tilespmem:$0x20];
	[tilespmem:$0x160] =	vst v53;
	v3 =	vmin.u32 v54, $0x1388  }
0x48: {  	[tilespmem:$0x410] =	vst v3  }
0x49: {  	v3 =	vld.idx.msk [tilespmem:v4+s17+$0x0], $0xffff;
	_ =	sdelay $0x2  }
0x4a: {  	v4 =	vshrl.u32 v55, $0xE  }
0x4b: {  	[tilespmem:$0x120] =	vst v4  }
0x4c: {  	[tilespmem:$0xA510] =	vst v3;
	v3 =	vand.u32 $0x3FFF, v55  }
0x4d: {  	v56 =	vadd.s32 $0x2710, v3;
	v57 =	vsub.s32 v3, v0;
	[tilespmem:$0x320] =	vst v3  }
0x4e: {  	v58 =	vld [tilespmem:$0x30];
	[tilespmem:$0x170] =	vst v56;
	v3 =	vmin.u32 v57, $0x1388  }
0x4f: {  	[tilespmem:$0x420] =	vst v3  }
0x50: {  	v3 =	vld.idx.msk [tilespmem:v4+s17+$0x0], $0xffff;
	_ =	sdelay $0x2  }
0x51: {  	v4 =	vshrl.u32 v58, $0xE  }
0x52: {  	[tilespmem:$0x130] =	vst v4  }
0x53: {  	[tilespmem:$0xA520] =	vst v3;
	v3 =	vand.u32 $0x3FFF, v58  }
0x54: {  	v59 =	vadd.s32 $0x2710, v3;
	v60 =	vsub.s32 v3, v0;
	[tilespmem:$0x330] =	vst v3  }
0x55: {  	v61 =	vld [tilespmem:$0x40];
	[tilespmem:$0x180] =	vst v59;
	v3 =	vmin.u32 v60, $0x1388  }
0x56: {  	[tilespmem:$0x430] =	vst v3  }
0x57: {  	v3 =	vld.idx.msk [tilespmem:v4+s17+$0x0], $0xffff;
	_ =	sdelay $0x2  }
0x58: {  	v4 =	vshrl.u32 v61, $0xE  }
0x59: {  	[tilespmem:$0x140] =	vst v4  }
0x5a: {  	[tilespmem:$0xA530] =	vst v3;
	v3 =	vand.u32 $0x3FFF, v61  }
0x5b: {  	v62 =	vadd.s32 $0x2710, v3;
	v63 =	vsub.s32 v3, v0;
	[tilespmem:$0x340] =	vst v3  }
0x5c: {  	[tilespmem:$0x190] =	vst v62;
	v3 =	vmin.u32 v63, $0x1388  }
0x5d: {  	[tilespmem:$0x440] =	vst v3  }
0x5e: {  	v3 =	vld.idx.msk [tilespmem:v4+s17+$0x0], $0xffff;
	_ =	sdelay $0x4  }
0x5f: {  	s12 =	simm.s32 $0x0;
	[tilespmem:$0xA540] =	vst v3  }
0x60: {  	[tilespmem:s20], [sflag:$0x1] =	stream.indirect.gather [hbm4b:s4+s18], $0x80, s19, s18, $0xb8;
	[tilespmem:$0x19200] =	vst v63  }
.LBB2_6:
0x61: {  	s13 =	smul.u32 $0xA0, s12;
	_ =	sdelay $0x1  }
0x62: {  	s7 =	sadd.s32 s13, s10  }
0x63: {  	s7 =	sshrl.u32 s7, $0x3  }
0x64: {  	s7 =	sadd.s32 s6, s7  }
0x65: {  	[tilespmem:s21], [sflag:$0x3] =	stream.linear.gather [hbm4b:s7+s9], $0x50, $0x38;
	[tilespmem:$0x19200] =	vst v63  }
0x66: {  	_ =	swait.ge [sflag:s16], $0x50  }
0x67: {  	[sflag:s16] =	ssyncset.done $0x0  }
0x68: {  	[sflag:s16] =	ssyncadd.s32 $0xFFFFFFB0  }
0x69: {  	v3 =	vld [tilespmem:$0x80];
	_ =	sdelay $0x4  }
0x6a: {  	v4 =	vand.u32 $0x3FFF, v3;
	v3 =	vshrl.u32 v3, $0xE  }
0x6b: {  	[tilespmem:$0x200] =	vst v3;
	v5 =	vadd.s32 $0x2710, v4  }
0x6c: {  	[tilespmem:$0x250] =	vst v5;
	v5 =	vsub.s32 v4, v0  }
0x6d: {  	[tilespmem:$0x380] =	vst v4;
	v4 =	vmin.u32 v5, $0x1388  }
0x6e: {  	[tilespmem:$0x480] =	vst v4;
	v4 =	vld [tilespmem:$0x90]  }
0x6f: {  	v3 =	vld.idx.msk [tilespmem:v3+s17+$0x0], $0xffff;
	_ =	sdelay $0x4  }
0x70: {  	[tilespmem:$0xA580] =	vst v3;
	v3 =	vand.u32 $0x3FFF, v4;
	v4 =	vshrl.u32 v4, $0xE  }
0x71: {  	[tilespmem:$0x210] =	vst v4;
	v5 =	vadd.s32 $0x2710, v3  }
0x72: {  	[tilespmem:$0x260] =	vst v5;
	v5 =	vsub.s32 v3, v0  }
0x73: {  	[tilespmem:$0x390] =	vst v3;
	v3 =	vmin.u32 v5, $0x1388  }
0x74: {  	[tilespmem:$0x490] =	vst v3  }
0x75: {  	v3 =	vld.idx.msk [tilespmem:v4+s17+$0x0], $0xffff  }
0x76: {  	v4 =	vld [tilespmem:$0xA0];
	_ =	sdelay $0x4  }
0x77: {  	[tilespmem:$0xA590] =	vst v3;
	v3 =	vand.u32 $0x3FFF, v4;
	v4 =	vshrl.u32 v4, $0xE  }
0x78: {  	[tilespmem:$0x220] =	vst v4;
	v5 =	vadd.s32 $0x2710, v3  }
0x79: {  	[tilespmem:$0x270] =	vst v5;
	v5 =	vsub.s32 v3, v0  }
0x7a: {  	[tilespmem:$0x3A0] =	vst v3;
	v3 =	vmin.u32 v5, $0x1388  }
0x7b: {  	[tilespmem:$0x4A0] =	vst v3  }
0x7c: {  	v3 =	vld.idx.msk [tilespmem:v4+s17+$0x0], $0xffff  }
0x7d: {  	v4 =	vld [tilespmem:$0xB0];
	_ =	sdelay $0x4  }
0x7e: {  	[tilespmem:$0xA5A0] =	vst v3;
	v3 =	vand.u32 $0x3FFF, v4;
	v4 =	vshrl.u32 v4, $0xE  }
0x7f: {  	[tilespmem:$0x230] =	vst v4;
	v5 =	vadd.s32 $0x2710, v3  }
0x80: {  	[tilespmem:$0x280] =	vst v5;
	v5 =	vsub.s32 v3, v0  }
0x81: {  	[tilespmem:$0x3B0] =	vst v3;
	v3 =	vmin.u32 v5, $0x1388  }
0x82: {  	[tilespmem:$0x4B0] =	vst v3  }
0x83: {  	v3 =	vld.idx.msk [tilespmem:v4+s17+$0x0], $0xffff  }
0x84: {  	v4 =	vld [tilespmem:$0xC0];
	_ =	sdelay $0x4  }
0x85: {  	[tilespmem:$0xA5B0] =	vst v3;
	v3 =	vand.u32 $0x3FFF, v4;
	v4 =	vshrl.u32 v4, $0xE  }
0x86: {  	[tilespmem:$0x240] =	vst v4;
	v5 =	vadd.s32 $0x2710, v3  }
0x87: {  	[tilespmem:$0x290] =	vst v5;
	v5 =	vsub.s32 v3, v0  }
0x88: {  	[tilespmem:$0x3C0] =	vst v3;
	v3 =	vmin.u32 v5, $0x1388  }
0x89: {  	[tilespmem:$0x4C0] =	vst v3  }
0x8a: {  	v3 =	vld.idx.msk [tilespmem:v4+s17+$0x0], $0xffff;
	_ =	sdelay $0x4  }
0x8b: {  	[tilespmem:$0xA5C0] =	vst v3  }
0x8c: {  	[tilespmem:s23], [sflag:$0x2] =	stream.indirect.gather [hbm4b:s4+s18], $0x80, s22, s18, $0xb8;
	[tilespmem:$0x19200] =	vst v63  }
0x8d: {  	_ =	swait.ge [sflag:s24], $0x5000  }
0x8e: {  	[sflag:s24] =	ssyncset.done $0x0  }
0x8f: {  	s14 =	simm.s32 $0x500;
	[sflag:s24] =	ssyncadd.s32 $0xFFFFB000  }
0x90: {  	v3 =	vld [tilespmem:s14+$0x0]  }
0x91: {  	v5 =	vld [tilespmem:s14+$0x2800]  }
0x92: {  	v6 =	vld [tilespmem:s14+$0x10]  }
0x93: {  	v8 =	vld [tilespmem:s14+$0x2810]  }
0x94: {  	v4 =	vld [tilespmem:s14+$0x20]  }
0x95: {  	v7 =	vld [tilespmem:s14+$0x2820]  }
0x96: {  	v9 =	vld [tilespmem:s14+$0x30]  }
0x97: {  	v13 =	vmov s9;
	v11 =	vld [tilespmem:s14+$0x2830]  }
0x98: {  	v10 =	vld [tilespmem:s14+$0x40]  }
0x99: {  	s7 =	simm.s32 $0x1;
	v12 =	vld [tilespmem:s14+$0x2840]  }
.LBB2_7:
0x9a: {  	p1 =	sne.s32 s7, $0x4F;
	v14 =	vld [tilespmem:s14+$0x50]  }
0x9b: {  	v15 =	vld [tilespmem:s14+$0x2850]  }
0x9c: {  	v16 =	vld.idx.msk [tilespmem:v13+s26+$0x0], $0xffff  }
0x9d: {  	v17 =	vld [tilespmem:s14+$0x60]  }
0x9e: {  	v3 =	vadd.f32 v5, v3;
	v13 =	vld.idx.msk [tilespmem:v13+s25+$0x0], $0xffff  }
0x9f: {  	v5 =	vadd.f32 v8, v6;
	v6 =	vld [tilespmem:s14+$0x2860]  }
0xa0: {  	v4 =	vadd.f32 v7, v4;
	v3 =	vmax.f32 v3, $0.0e+00;
	v7 =	vadd.f32 v11, v9;
	v8 =	vld [tilespmem:s14+$0x70]  }
0xa1: {  	v5 =	vmax.f32 v5, $0.0e+00;
	v9 =	vadd.f32 v12, v10;
	v10 =	vadd.f32 v15, v14;
	v11 =	vld [tilespmem:s14+$0x2870]  }
0xa2: {  	v4 =	vmax.f32 v4, $0.0e+00;
	v7 =	vmax.f32 v7, $0.0e+00;
	v3 =	vmul.f32 v3, v16  }
0xa3: {  	v9 =	vmax.f32 v9, $0.0e+00;
	v5 =	vmul.f32 v5, v16;
	v10 =	vmax.f32 v10, $0.0e+00  }
0xa4: {  	vm1 =	vge.s32 v13, v0;
	vm2 =	vlt.s32 v13, v1;
	[tilespmem:s14+$0x0] =	vst v3;
	v3 =	vmul.f32 v4, v16  }
0xa5: {  	v4 =	vmul.f32 v7, v16;
	vm1 =	vmand vm1, vm2;
	[tilespmem:s14+$0x10] =	vst v5;
	v5 =	vadd.f32 v6, v17  }
0xa6: {  	vm1 =	vmand vm1, vm0;
	[tilespmem:s14+$0x20] =	vst v3;
	v3 =	vmul.f32 v9, v16;
	v6 =	vadd.f32 v11, v8  }
0xa7: {  	[tilespmem:s14+$0x30] =	vst v4;
	v4 =	vmul.f32 v10, v16;
	v5 =	vmax.f32 v5, $0.0e+00  }
0xa8: {  	[tilespmem:s14+$0x40] =	vst v3;
	v3 =	vmul.f32 v5, v16;
	v5 =	vmax.f32 v6, $0.0e+00  }
0xa9: {  	[tilespmem:s14+$0x50] =	vst v4;
	v4 =	vmul.f32 v5, v16  }
0xaa: {  	[tilespmem:s14+$0x60] =	vst v3  }
0xab: {  	[tilespmem:s14+$0x70] =	vst v4  }
0xac: {  	s14 =	sadd.s32 $0x80, s14;
	[tilespmem:v13+s15+$0x0] =	vst.idx.add.f32.msk vm1, v16  }
0xad: {  	v3 =	vld [tilespmem:s14+$0x0]  }
0xae: {  	v5 =	vld [tilespmem:s14+$0x2800]  }
0xaf: {  	v6 =	vld [tilespmem:s14+$0x10]  }
0xb0: {  	v8 =	vld [tilespmem:s14+$0x2810]  }
0xb1: {  	v4 =	vld [tilespmem:s14+$0x20]  }
.Ltmp3:
0xb2: {  	v7 =	vld [tilespmem:s14+$0x2820];
	(pc) =	sbr.rel @p1 .LBB2_7-.Ltmp3, $4  }
0xb3: {  	v9 =	vld [tilespmem:s14+$0x30]  }
0xb4: {  	v13 =	vmov s7;
	v11 =	vld [tilespmem:s14+$0x2830]  }
0xb5: {  	v10 =	vld [tilespmem:s14+$0x40]  }
0xb6: {  	s7 =	sadd.s32 $0x1, s7;
	v12 =	vld [tilespmem:s14+$0x2840]  }
0xb7: {  	_ =	sdelay $0x1  }
0xb8: {  	v14 =	vld [tilespmem:s14+$0x50]  }
0xb9: {  	v15 =	vld [tilespmem:s14+$0x2850]  }
0xba: {  	v16 =	vld.idx.msk [tilespmem:v13+s26+$0x0], $0xffff  }
0xbb: {  	v17 =	vld [tilespmem:s14+$0x60]  }
0xbc: {  	v50 =	vld.idx.msk [tilespmem:v13+s25+$0x0], $0xffff  }
0xbd: {  	v52 =	vld [tilespmem:s14+$0x2860]  }
0xbe: {  	v3 =	vadd.f32 v5, v3;
	v54 =	vld [tilespmem:s14+$0x70]  }
0xbf: {  	v51 =	vadd.f32 v8, v6;
	v4 =	vadd.f32 v7, v4;
	v57 =	vld [tilespmem:s14+$0x2870]  }
0xc0: {  	v3 =	vmax.f32 v3, $0.0e+00;
	v53 =	vadd.f32 v11, v9  }
0xc1: {  	v5 =	vmax.f32 v51, $0.0e+00;
	v4 =	vmax.f32 v4, $0.0e+00;
	v55 =	vadd.f32 v12, v10  }
0xc2: {  	v7 =	vmax.f32 v53, $0.0e+00;
	v56 =	vadd.f32 v15, v14;
	v3 =	vmul.f32 v3, v16  }
0xc3: {  	v5 =	vmul.f32 v5, v16;
	vm1 =	vge.s32 v50, v0;
	vm2 =	vlt.s32 v50, v1  }
0xc4: {  	v58 =	vmul.f32 v7, v16;
	v59 =	vadd.f32 v52, v17;
	v60 =	vadd.f32 v57, v54;
	[tilespmem:s14+$0x0] =	vst v3  }
0xc5: {  	vm1 =	vmand vm1, vm2;
	v10 =	vmax.f32 v56, $0.0e+00;
	v3 =	vmul.f32 v4, v16;
	[tilespmem:s14+$0x10] =	vst v5  }
0xc6: {  	v9 =	vmax.f32 v55, $0.0e+00;
	vm1 =	vmand vm1, vm0;
	[tilespmem:s14+$0x30] =	vst v58;
	v61 =	vmul.f32 v10, v16  }
0xc7: {  	v62 =	vmax.f32 v60, $0.0e+00;
	[tilespmem:s14+$0x20] =	vst v3;
	v3 =	vmul.f32 v9, v16  }
0xc8: {  	v5 =	vmax.f32 v59, $0.0e+00;
	v63 =	vmul.f32 v62, v16;
	[tilespmem:s14+$0x50] =	vst v61  }
0xc9: {  	[tilespmem:s14+$0x40] =	vst v3;
	v3 =	vmul.f32 v5, v16  }
0xca: {  	[tilespmem:s14+$0x70] =	vst v63  }
0xcb: {  	p1 =	seq.s32 s12, $0x7C;
	[tilespmem:s14+$0x60] =	vst v3  }
.Ltmp4:
0xcc: {  	[tilespmem:v50+s15+$0x0] =	vst.idx.add.f32.msk vm1, v16;
	(pc) =	sbr.rel @p1 .LBB2_10-.Ltmp4, $4  }
0xcd: {  	[spmem:s1] =	stream.indirect.scatter.add.f32 [tilespmem:s20], [sflag:$0x3], $0x80, s29, s28, $0xb8;
	[tilespmem:$0x19200] =	vst v63  }
0xce: {  	_ =	swait.ge [sflag:s16], $0x2800  }
0xcf: {  	[sflag:s16] =	ssyncset.done $0x0  }
0xd0: {  	[sflag:s16] =	ssyncadd.s32 $0xFFFFD800  }
0xd1: {  	s7 =	sadd.s32 s13, s11  }
0xd2: {  	s7 =	sshrl.u32 s7, $0x3  }
0xd3: {  	s7 =	sadd.s32 s6, s7  }
0xd4: {  	[tilespmem:s3], [sflag:$0x3] =	stream.linear.gather [hbm4b:s7+s3], $0x50, $0x38;
	[tilespmem:$0x19200] =	vst v63  }
0xd5: {  	_ =	swait.ge [sflag:s16], $0x50  }
0xd6: {  	[sflag:s16] =	ssyncset.done $0x0  }
0xd7: {  	[sflag:s16] =	ssyncadd.s32 $0xFFFFFFB0  }
0xd8: {  	v3 =	vld [tilespmem:$0x0];
	_ =	sdelay $0x4  }
0xd9: {  	v4 =	vand.u32 $0x3FFF, v3;
	v3 =	vshrl.u32 v3, $0xE  }
0xda: {  	[tilespmem:$0x100] =	vst v3  }
0xdb: {  	v5 =	vadd.s32 $0x2710, v4;
	v50 =	vsub.s32 v4, v0;
	[tilespmem:$0x300] =	vst v4  }
0xdc: {  	v52 =	vld [tilespmem:$0x10];
	[tilespmem:$0x150] =	vst v5;
	v51 =	vmin.u32 v50, $0x1388  }
0xdd: {  	[tilespmem:$0x400] =	vst v51  }
0xde: {  	v3 =	vld.idx.msk [tilespmem:v3+s17+$0x0], $0xffff;
	_ =	sdelay $0x2  }
0xdf: {  	v4 =	vshrl.u32 v52, $0xE  }
0xe0: {  	[tilespmem:$0x110] =	vst v4  }
0xe1: {  	[tilespmem:$0xA500] =	vst v3;
	v3 =	vand.u32 $0x3FFF, v52  }
0xe2: {  	v53 =	vadd.s32 $0x2710, v3;
	v54 =	vsub.s32 v3, v0;
	[tilespmem:$0x310] =	vst v3  }
0xe3: {  	v55 =	vld [tilespmem:$0x20];
	[tilespmem:$0x160] =	vst v53;
	v3 =	vmin.u32 v54, $0x1388  }
0xe4: {  	[tilespmem:$0x410] =	vst v3  }
0xe5: {  	v3 =	vld.idx.msk [tilespmem:v4+s17+$0x0], $0xffff;
	_ =	sdelay $0x2  }
0xe6: {  	v4 =	vshrl.u32 v55, $0xE  }
0xe7: {  	[tilespmem:$0x120] =	vst v4  }
0xe8: {  	[tilespmem:$0xA510] =	vst v3;
	v3 =	vand.u32 $0x3FFF, v55  }
0xe9: {  	v56 =	vadd.s32 $0x2710, v3;
	v57 =	vsub.s32 v3, v0;
	[tilespmem:$0x320] =	vst v3  }
0xea: {  	v58 =	vld [tilespmem:$0x30];
	[tilespmem:$0x170] =	vst v56;
	v3 =	vmin.u32 v57, $0x1388  }
0xeb: {  	[tilespmem:$0x420] =	vst v3  }
0xec: {  	v3 =	vld.idx.msk [tilespmem:v4+s17+$0x0], $0xffff;
	_ =	sdelay $0x2  }
0xed: {  	v4 =	vshrl.u32 v58, $0xE  }
0xee: {  	[tilespmem:$0x130] =	vst v4  }
0xef: {  	[tilespmem:$0xA520] =	vst v3;
	v3 =	vand.u32 $0x3FFF, v58  }
0xf0: {  	v59 =	vadd.s32 $0x2710, v3;
	v60 =	vsub.s32 v3, v0;
	[tilespmem:$0x330] =	vst v3  }
0xf1: {  	v61 =	vld [tilespmem:$0x40];
	[tilespmem:$0x180] =	vst v59;
	v3 =	vmin.u32 v60, $0x1388  }
0xf2: {  	[tilespmem:$0x430] =	vst v3  }
0xf3: {  	v3 =	vld.idx.msk [tilespmem:v4+s17+$0x0], $0xffff;
	_ =	sdelay $0x2  }
0xf4: {  	v4 =	vshrl.u32 v61, $0xE  }
0xf5: {  	[tilespmem:$0x140] =	vst v4  }
0xf6: {  	[tilespmem:$0xA530] =	vst v3;
	v3 =	vand.u32 $0x3FFF, v61  }
0xf7: {  	v62 =	vadd.s32 $0x2710, v3;
	v63 =	vsub.s32 v3, v0;
	[tilespmem:$0x340] =	vst v3  }
0xf8: {  	[tilespmem:$0x190] =	vst v62;
	v3 =	vmin.u32 v63, $0x1388  }
0xf9: {  	[tilespmem:$0x440] =	vst v3  }
0xfa: {  	v3 =	vld.idx.msk [tilespmem:v4+s17+$0x0], $0xffff;
	_ =	sdelay $0x4  }
0xfb: {  	[tilespmem:$0xA540] =	vst v3  }
0xfc: {  	[tilespmem:s20], [sflag:$0x1] =	stream.indirect.gather [hbm4b:s4+s18], $0x80, s19, s18, $0xb8;
	[tilespmem:$0x19200] =	vst v63  }
.LBB2_10:
0xfd: {  	_ =	swait.ge [sflag:s30], $0x5000  }
0xfe: {  	[sflag:s30] =	ssyncset.done $0x0  }
0xff: {  	s13 =	simm.s32 $0x5500;
	[sflag:s30] =	ssyncadd.s32 $0xFFFFB000  }
0x100: {  	v3 =	vld [tilespmem:s13+$0x0]  }
0x101: {  	v5 =	vld [tilespmem:s13+$0x2800]  }
0x102: {  	v6 =	vld [tilespmem:s13+$0x10]  }
0x103: {  	v8 =	vld [tilespmem:s13+$0x2810]  }
0x104: {  	v4 =	vld [tilespmem:s13+$0x20]  }
0x105: {  	v7 =	vld [tilespmem:s13+$0x2820]  }
0x106: {  	s7 =	simm.s32 $0x0;
	v9 =	vld [tilespmem:s13+$0x30]  }
0x107: {  	v13 =	vmov s7;
	v11 =	vld [tilespmem:s13+$0x2830]  }
0x108: {  	v10 =	vld [tilespmem:s13+$0x40]  }
0x109: {  	s7 =	simm.s32 $0x1;
	v12 =	vld [tilespmem:s13+$0x2840]  }
.LBB2_11:
0x10a: {  	p1 =	sne.s32 s7, $0x4F;
	v14 =	vld [tilespmem:s13+$0x50]  }
0x10b: {  	v15 =	vld [tilespmem:s13+$0x2850]  }
0x10c: {  	v16 =	vld.idx.msk [tilespmem:v13+s0+$0x0], $0xffff  }
0x10d: {  	v17 =	vld [tilespmem:s13+$0x60]  }
0x10e: {  	v3 =	vadd.f32 v5, v3;
	v13 =	vld.idx.msk [tilespmem:v13+s31+$0x0], $0xffff  }
0x10f: {  	v5 =	vadd.f32 v8, v6;
	v6 =	vld [tilespmem:s13+$0x2860]  }
0x110: {  	v4 =	vadd.f32 v7, v4;
	v3 =	vmax.f32 v3, $0.0e+00;
	v7 =	vadd.f32 v11, v9;
	v8 =	vld [tilespmem:s13+$0x70]  }
0x111: {  	v5 =	vmax.f32 v5, $0.0e+00;
	v9 =	vadd.f32 v12, v10;
	v10 =	vadd.f32 v15, v14;
	v11 =	vld [tilespmem:s13+$0x2870]  }
0x112: {  	v4 =	vmax.f32 v4, $0.0e+00;
	v7 =	vmax.f32 v7, $0.0e+00;
	v3 =	vmul.f32 v3, v16  }
0x113: {  	v9 =	vmax.f32 v9, $0.0e+00;
	v5 =	vmul.f32 v5, v16;
	v10 =	vmax.f32 v10, $0.0e+00  }
0x114: {  	vm1 =	vge.s32 v13, v0;
	vm2 =	vlt.s32 v13, v1;
	[tilespmem:s13+$0x0] =	vst v3;
	v3 =	vmul.f32 v4, v16  }
0x115: {  	v4 =	vmul.f32 v7, v16;
	vm1 =	vmand vm1, vm2;
	[tilespmem:s13+$0x10] =	vst v5;
	v5 =	vadd.f32 v6, v17  }
0x116: {  	vm1 =	vmand vm1, vm0;
	[tilespmem:s13+$0x20] =	vst v3;
	v3 =	vmul.f32 v9, v16;
	v6 =	vadd.f32 v11, v8  }
0x117: {  	[tilespmem:s13+$0x30] =	vst v4;
	v4 =	vmul.f32 v10, v16;
	v5 =	vmax.f32 v5, $0.0e+00  }
0x118: {  	[tilespmem:s13+$0x40] =	vst v3;
	v3 =	vmul.f32 v5, v16;
	v5 =	vmax.f32 v6, $0.0e+00  }
0x119: {  	[tilespmem:s13+$0x50] =	vst v4;
	v4 =	vmul.f32 v5, v16  }
0x11a: {  	[tilespmem:s13+$0x60] =	vst v3  }
0x11b: {  	[tilespmem:s13+$0x70] =	vst v4  }
0x11c: {  	s13 =	sadd.s32 $0x80, s13;
	[tilespmem:v13+s15+$0x0] =	vst.idx.add.f32.msk vm1, v16  }
0x11d: {  	v3 =	vld [tilespmem:s13+$0x0]  }
0x11e: {  	v5 =	vld [tilespmem:s13+$0x2800]  }
0x11f: {  	v6 =	vld [tilespmem:s13+$0x10]  }
0x120: {  	v8 =	vld [tilespmem:s13+$0x2810]  }
0x121: {  	v4 =	vld [tilespmem:s13+$0x20]  }
.Ltmp5:
0x122: {  	v7 =	vld [tilespmem:s13+$0x2820];
	(pc) =	sbr.rel @p1 .LBB2_11-.Ltmp5, $4  }
0x123: {  	v9 =	vld [tilespmem:s13+$0x30]  }
0x124: {  	v13 =	vmov s7;
	v11 =	vld [tilespmem:s13+$0x2830]  }
0x125: {  	v10 =	vld [tilespmem:s13+$0x40]  }
0x126: {  	s7 =	sadd.s32 $0x1, s7;
	v12 =	vld [tilespmem:s13+$0x2840]  }
0x127: {  	_ =	sdelay $0x1  }
0x128: {  	v14 =	vld [tilespmem:s13+$0x50]  }
0x129: {  	v15 =	vld [tilespmem:s13+$0x2850]  }
0x12a: {  	v16 =	vld.idx.msk [tilespmem:v13+s0+$0x0], $0xffff  }
0x12b: {  	v17 =	vld [tilespmem:s13+$0x60]  }
0x12c: {  	v50 =	vld.idx.msk [tilespmem:v13+s31+$0x0], $0xffff  }
0x12d: {  	v52 =	vld [tilespmem:s13+$0x2860]  }
0x12e: {  	v3 =	vadd.f32 v5, v3;
	v54 =	vld [tilespmem:s13+$0x70]  }
0x12f: {  	v51 =	vadd.f32 v8, v6;
	v4 =	vadd.f32 v7, v4;
	v57 =	vld [tilespmem:s13+$0x2870]  }
0x130: {  	v3 =	vmax.f32 v3, $0.0e+00;
	v53 =	vadd.f32 v11, v9  }
0x131: {  	v5 =	vmax.f32 v51, $0.0e+00;
	v4 =	vmax.f32 v4, $0.0e+00;
	v55 =	vadd.f32 v12, v10  }
0x132: {  	v7 =	vmax.f32 v53, $0.0e+00;
	v56 =	vadd.f32 v15, v14;
	v3 =	vmul.f32 v3, v16  }
0x133: {  	v5 =	vmul.f32 v5, v16;
	vm1 =	vge.s32 v50, v0;
	vm2 =	vlt.s32 v50, v1  }
0x134: {  	v58 =	vmul.f32 v7, v16;
	v59 =	vadd.f32 v52, v17;
	v60 =	vadd.f32 v57, v54;
	[tilespmem:s13+$0x0] =	vst v3  }
0x135: {  	vm1 =	vmand vm1, vm2;
	v10 =	vmax.f32 v56, $0.0e+00;
	v3 =	vmul.f32 v4, v16;
	[tilespmem:s13+$0x10] =	vst v5  }
0x136: {  	v9 =	vmax.f32 v55, $0.0e+00;
	vm1 =	vmand vm1, vm0;
	[tilespmem:s13+$0x30] =	vst v58;
	v61 =	vmul.f32 v10, v16  }
0x137: {  	v62 =	vmax.f32 v60, $0.0e+00;
	[tilespmem:s13+$0x20] =	vst v3;
	v3 =	vmul.f32 v9, v16  }
0x138: {  	v5 =	vmax.f32 v59, $0.0e+00;
	v63 =	vmul.f32 v62, v16;
	[tilespmem:s13+$0x50] =	vst v61  }
0x139: {  	[tilespmem:s13+$0x40] =	vst v3;
	v3 =	vmul.f32 v5, v16  }
0x13a: {  	s12 =	sadd.s32 $0x1, s12;
	[tilespmem:s13+$0x70] =	vst v63  }
0x13b: {  	p1 =	sne.s32 s12, $0x7D;
	[tilespmem:s13+$0x60] =	vst v3  }
.Ltmp6:
0x13c: {  	[tilespmem:v50+s15+$0x0] =	vst.idx.add.f32.msk vm1, v16;
	(pc) =	sbr.rel @p1 .LBB2_6-.Ltmp6, $4  }
0x13d: {  	[spmem:s1] =	stream.indirect.scatter.add.f32 [tilespmem:s23], [sflag:$0x3], $0x80, s2, s28, $0xb8;
	[tilespmem:$0x19200] =	vst v63  }
0x13e: {  	_ =	swait.ge [sflag:s16], $0x2800  }
0x13f: {  	[sflag:s16] =	ssyncset.done $0x0  }
0x140: {  	[sflag:s16] =	ssyncadd.s32 $0xFFFFD800  }
0x141: {  	s7 =	stileid.u32  }
.Ltmp7:
0x142: {  	[bflag:$0x0] =	sbarrier.arrive $0xFFFF;
	s7 =	sshll.u32 s7, $0x6;
	(pc) =	sbr.rel @!p0 .LBB2_15-.Ltmp7, $4  }
0x143: {  	s9 =	sshrl.u32 s8, $0x3;
	s12 =	rddreg [dreg:$0x9];
	s7 =	sor.u32 $0x1C03, s7  }
0x144: {  	[hbm:s12], [sflag:s7] =	dma.local [spmem:s9], $0x100  }
0x145: {  	s13 =	smov.u32 s8;
	s9 =	rddreg [dreg:$0x5]  }
0x146: {  	s12 =	sadd.s32 $0x1000, s12;
	_ =	swait.ge [sflag:s16], $0x100;
	s9 =	sadd.s32 $0xFFFFFFFF, s9  }
.LBB2_14:
0x147: {  	[sflag:s16] =	ssyncset.done $0x0;
	s13 =	sadd.s32 $0x8000, s13;
	p0 =	sne.s32 s9, $0x1  }
.Ltmp8:
0x148: {  	s14 =	sshrl.u32 s13, $0x3;
	[sflag:s16] =	ssyncadd.s32 $0xFFFFFF00;
	(pc) =	sbr.rel @p0 .LBB2_14-.Ltmp8, $3  }
0x149: {  	[hbm:s12], [sflag:s7] =	dma.local [spmem:s14], $0x100  }
0x14a: {  	s9 =	sadd.s32 $0xFFFFFFFF, s9;
	_ =	sdelay $0x1  }
0x14b: {  	s12 =	sadd.s32 $0x1000, s12;
	_ =	swait.ge [sflag:s16], $0x100  }
.LBB2_15:
0x14c: {  	[sflag:s16] =	ssyncset.done $0x0  }
0x14d: {  	s7 =	rddreg [dreg:$0x7];
	[sflag:s16] =	ssyncadd.s32 $0xFFFFFF00  }
0x14e: {  	[hbm4b:s7+s3] =	stream.linear.scatter [tilespmem:s15], [sflag:$0x3], $0x2800, $0x38;
	[tilespmem:$0x19200] =	vst v63  }
0x14f: {  	_ =	swait.ge [sflag:s16], $0x2800  }
0x150: {  	s5 =	sadd.s32 $0x1, s5;
	s14 =	rddreg [dreg:$0x8]  }
0x151: {  	p0 =	sne.s32 s5, s14  }
.Ltmp9:
0x152: {  	_ = 	snop;
	(pc) =	sbr.rel @p0 .LBB2_1-.Ltmp9, $3  }
0x153: {  	_ =	sdelay $0x1  }
0x154: {  	[sflag:s16] =	ssyncset.done $0x0  }
0x155: {  	[sflag:s16] =	ssyncadd.s32 $0xFFFFD800  }
0x156: {  	_ =	sfence.sel $0x180000  }
0x157: {  	[bflag:$0x0] =	sbarrier.arrive $0xFFFF  }
0x158: {  	_ =	strace $0x90000047  }
0x159: {  	s0 =	stileid.u32;
	[bflag:$0x2] =	sbarrier.arrive $0xFFFF  }
0x15a: {  	p0 =	sne.s32 s0, $0x0;
	s0 =	rddreg [dreg:$0x3]  }
0x15b: {  	s0 =	sadd.s32 @!p0 $0x100000, s0  }
0x15c: {  	[sflag:s0] =	ssyncadd.tile.s32 @!p0 $0x1;
	_ =	shalt  }
.Lfunc_end2:
_tile_overlayer_lowered:
.L_overlay_start_2:
0x15d: {  	(tag) =	ssettag $0x2  }
0x15e: {  	s0 =	rddreg [dreg:$0x0];
	s2 =	stileid.u32  }
0x15f: {  	s1 =	rddreg [dreg:$0x1];
	p0 =	sne.s32 s2, $0x0  }
0x160: {  	s3 =	rddreg [dreg:$0x2];
	[bflag:$0x3] =	sbarrier.arrive $0xFFFF;
	s2 =	simm.s32 @!p0 $0x1C03  }
0x161: {  	[timem:s3], [sflag:s2] =	dma.local @!p0 [hbm:s0], s1  }
0x162: {  	s0 =	simm.s32 @!p0 $0x3  }
0x163: {  	_ =	swait.ge @!p0 [sflag:s0], s1  }
0x164: {  	s1 =	ssub.s32 @!p0 $0x0, s1;
	[sflag:s0] =	ssyncset.done @!p0 $0x0  }
0x165: {  	[sflag:s0] =	ssyncadd.s32 @!p0 s1  }
0x166: {  	[bflag:$0x3] =	sbarrier.arrive $0xFFFF  }
0x167: {  	_ =	shalt  }

</sc_bundles>
